<compile_context>
chip_gen: v7x
topology: tpu7x:2x2x1
jax: 0.10.2.dev20260603
libtpu: 0.0.44.dev20260713+nightly
codegen_flags: <defaults>
</compile_context>

<pallas_src>
import functools

import jax
import jax.numpy as jnp
from jax import lax
from jax.experimental import pallas as pl
from jax.experimental.pallas import tpu as pltpu
from jax.experimental.pallas import tpu_sc as plsc

_NC = 2
_NS = 16
_NW = _NC * _NS
_NP = 10240


def _sc_segment_sums(p, ef, src, dst, zn, ze):
  N, D = p.shape
  E, DE = ef.shape
  EPW = E // _NW
  B = 80
  NB = EPW // B
  CH = 80
  CPT = _NP // CH // _NS

  mesh = plsc.VectorSubcoreMesh(core_axis_name="c", subcore_axis_name="s")

  @functools.partial(
      pl.kernel,
      out_type=(
          jax.ShapeDtypeStruct((_NC * _NP, D), jnp.float32),
          jax.ShapeDtypeStruct((_NC * _NP, DE), jnp.float32),
      ),
      mesh=mesh,
      compiler_params=pltpu.CompilerParams(use_tc_tiling_on_sc=False),
      scratch_types=[
          pltpu.VMEM_SHARED((_NP, D), jnp.float32),
          pltpu.VMEM_SHARED((_NP, DE), jnp.float32),
          pltpu.VMEM((B,), jnp.int32),
          pltpu.VMEM((B,), jnp.int32),
          pltpu.VMEM((B,), jnp.int32),
          pltpu.VMEM((B,), jnp.int32),
          pltpu.VMEM((B, D), jnp.float32),
          pltpu.VMEM((B, D), jnp.float32),
          pltpu.VMEM((B, DE), jnp.float32),
          pltpu.VMEM((B, DE), jnp.float32),
          pltpu.SemaphoreType.DMA,
          pltpu.SemaphoreType.DMA,
          pltpu.SemaphoreType.DMA,
          pltpu.SemaphoreType.DMA,
          pltpu.SemaphoreType.DMA,
          pltpu.SemaphoreType.DMA,
      ],
  )
  def seg(p_hbm, ef_hbm, src_hbm, dst_hbm, zn_hbm, ze_hbm, outn, oute,
          aggn, agge, sidx0, sidx1, didx0, didx1, rows0, rows1,
          erows0, erows1, si0, si1, sg0, sg1, sq0, sq1):
    cid = lax.axis_index("c")
    sid = lax.axis_index("s")
    wid = sid * _NC + cid

    pltpu.sync_copy(zn_hbm, rows0)
    pltpu.sync_copy(ze_hbm, erows0)
    for i in range(CPT):
      r0 = pl.multiple_of((sid * CPT + i) * CH, CH)
      pltpu.sync_copy(rows0, aggn.at[pl.ds(r0, CH)])
      pltpu.sync_copy(erows0, agge.at[pl.ds(r0, CH)])

    plsc.subcore_barrier()

    e0 = wid * EPW
    sidx = (sidx0, sidx1)
    didx = (didx0, didx1)
    rows = (rows0, rows1)
    erows = (erows0, erows1)
    si = (si0, si1)
    sg = (sg0, sg1)
    sq = (sq0, sq1)

    def fire_idx(j, b):
      base = e0 + j * B
      pltpu.async_copy(src_hbm.at[pl.ds(base, B)], sidx[b], si[b])
      pltpu.async_copy(dst_hbm.at[pl.ds(base, B)], didx[b], si[b])

    def wait_idx(b):
      pltpu.make_async_copy(src_hbm.at[pl.ds(0, B)], sidx[b], si[b]).wait()
      pltpu.make_async_copy(dst_hbm.at[pl.ds(0, B)], didx[b], si[b]).wait()

    def fire_gq(j, b):
      pltpu.async_copy(p_hbm.at[sidx[b]], rows[b], sg[b])
      pltpu.async_copy(ef_hbm.at[pl.ds(e0 + j * B, B)], erows[b], sq[b])

    def drain_scatter(j, b):
      pltpu.make_async_copy(p_hbm.at[sidx[b]], rows[b], sg[b]).wait()
      pltpu.make_async_copy(ef_hbm.at[pl.ds(e0 + j * B, B)], erows[b],
                            sq[b]).wait()
      pltpu.sync_copy(rows[b], aggn.at[didx[b]], add=True)
      pltpu.sync_copy(erows[b], agge.at[didx[b]], add=True)

    fire_idx(0, 0)
    fire_idx(1, 1)

    def body(i, carry):
      j = i * 2
      wait_idx(0)
      fire_gq(j, 0)
      wait_idx(1)
      fire_gq(j + 1, 1)
      drain_scatter(j, 0)
      fire_idx(j + 2, 0)
      drain_scatter(j + 1, 1)
      fire_idx(j + 3, 1)
      return carry

    lax.fori_loop(0, (NB - 3) // 2, body, 0)
    wait_idx(0)
    fire_gq(NB - 3, 0)
    wait_idx(1)
    fire_gq(NB - 2, 1)
    drain_scatter(NB - 3, 0)
    fire_idx(NB - 1, 0)
    drain_scatter(NB - 2, 1)
    wait_idx(0)
    fire_gq(NB - 1, 0)
    drain_scatter(NB - 1, 0)
    plsc.subcore_barrier()

    for i in range(CPT):
      r0 = pl.multiple_of((sid * CPT + i) * CH, CH)
      o0 = pl.multiple_of(cid * _NP + r0, CH)
      pltpu.sync_copy(aggn.at[pl.ds(r0, CH)], rows0)
      pltpu.sync_copy(rows0, outn.at[pl.ds(o0, CH)])
      pltpu.sync_copy(agge.at[pl.ds(r0, CH)], erows0)
      pltpu.sync_copy(erows0, oute.at[pl.ds(o0, CH)])

  return seg(p, ef, src, dst, zn, ze)


def _tc_matmul(x, wt):
  M, K = x.shape
  OUT = wt.shape[1]
  BM = 20000 if M % 20000 == 0 else 10000

  def body(x_ref, w_ref, out_ref):
    out_ref[...] = jnp.dot(x_ref[...], w_ref[...],
                           preferred_element_type=jnp.float32)

  return pl.pallas_call(
      body,
      grid=(M // BM,),
      in_specs=[
          pl.BlockSpec((BM, K), lambda i: (i, 0)),
          pl.BlockSpec((K, OUT), lambda i: (0, 0)),
      ],
      out_specs=pl.BlockSpec((BM, OUT), lambda i: (i, 0)),
      out_shape=jax.ShapeDtypeStruct((M, OUT), jnp.float32),
  )(x, wt)


def _tc_final(nf, an0, an1, ae0, ae1, w1t, w3t, b2):
  N, D = nf.shape
  DE = ae0.shape[1]
  OUT = w1t.shape[1]
  BM = 10000

  def body(nf_ref, an0_ref, an1_ref, ae0_ref, ae1_ref, w1_ref, w3_ref,
           b_ref, out_ref):
    acc = jnp.dot(nf_ref[...], w1_ref[...], preferred_element_type=jnp.float32)
    ae = ae0_ref[...] + ae1_ref[...]
    acc += jnp.dot(ae, w3_ref[...], preferred_element_type=jnp.float32)
    out_ref[...] = acc + an0_ref[...] + an1_ref[...] + b_ref[...]

  return pl.pallas_call(
      body,
      grid=(N // BM,),
      in_specs=[
          pl.BlockSpec((BM, D), lambda i: (i, 0)),
          pl.BlockSpec((BM, OUT), lambda i: (i, 0)),
          pl.BlockSpec((BM, OUT), lambda i: (i, 0)),
          pl.BlockSpec((BM, DE), lambda i: (i, 0)),
          pl.BlockSpec((BM, DE), lambda i: (i, 0)),
          pl.BlockSpec((D, OUT), lambda i: (0, 0)),
          pl.BlockSpec((DE, OUT), lambda i: (0, 0)),
          pl.BlockSpec((1, OUT), lambda i: (0, 0)),
      ],
      out_specs=pl.BlockSpec((BM, OUT), lambda i: (i, 0)),
      out_shape=jax.ShapeDtypeStruct((N, OUT), jnp.float32),
  )(nf, an0, an1, ae0, ae1, w1t, w3t, b2)


def kernel(node_features, edge_features, edge_index, W, b):
  N, D = node_features.shape
  DE = edge_features.shape[1]
  src = edge_index[0]
  dst = edge_index[1]
  wt = W.T
  p = _tc_matmul(node_features, wt[D:2 * D])
  zn = jnp.zeros((80, wt.shape[1]), jnp.float32)
  ze = jnp.zeros((80, DE), jnp.float32)
  outn, oute = _sc_segment_sums(p, edge_features, src, dst, zn, ze)
  an0, an1 = outn[:N], outn[_NP:_NP + N]
  ae0, ae1 = oute[:N], oute[_NP:_NP + N]
  b2 = b.reshape(1, -1)
  return _tc_final(node_features, an0, an1, ae0, ae1, wt[:D], wt[2 * D:], b2)

# --- scband reference (transcript-rebuilt; emitter-appended) ---
"""Pipeline reference for scband-ed-gnnlayer-82549271429644 (READ-ONLY COPY).

The authoritative reference and input builder live on the scoring server;
editing this copy changes nothing except your own understanding.
"""

import jax, jax.numpy as jnp
import numpy as np

N = 10000
E = 320000
D = 128
DE = 16
OUT = 128

def setup_inputs(seed: int = 0) -> dict:
    key = jax.random.key(seed)
    k1, k2, k3, k4, k5 = jax.random.split(key, 5)
    node_features = jax.random.normal(k1, (N, D), dtype=jnp.float32)
    edge_features = jax.random.normal(k2, (E, DE), dtype=jnp.float32)
    # edge_index[0] = src, edge_index[1] = dst
    edge_index = jax.random.randint(k3, (2, E), 0, N, dtype=jnp.int32)
    in_dim = 2 * D + DE
    W = jax.random.normal(k4, (OUT, in_dim), dtype=jnp.float32) * (1.0 / np.sqrt(in_dim))
    b = jax.random.normal(k5, (OUT,), dtype=jnp.float32) * 0.02
    return {"node_features": node_features, "edge_features": edge_features,
            "edge_index": edge_index, "W": W, "b": b}

def reference(node_features, edge_features, edge_index, W, b):
    # edGNN message passing:
    #   msg_uv = concat([h_u, e_uv])            (gnn_msg)
    #   agg_v  = sum_{u->v} msg_uv              (gnn_reduce)
    #   h_v    = Linear(concat([h_v, agg_v]))   (node_update; no activation/dropout)
    src = edge_index[0]
    dst = edge_index[1]
    msg = jnp.concatenate([node_features[src], edge_features], axis=1)  # [E, D+DE]
    agg = jax.ops.segment_sum(msg, dst, num_segments=node_features.shape[0])  # [N, D+DE]
    h = jnp.concatenate([node_features, agg], axis=1)  # [N, 2D+DE]
    out = h @ W.T + b
    return out

if __name__ == "__main__":
    import jax
    _d = setup_inputs()
    print(jax.jit(kernel)(*tuple(_d.values())))

</pallas_src>

<mosaic_0001>
#map = affine_map<(d0, d1) -> (0, 0)>
#map1 = affine_map<(d0, d1) -> (0)>
module attributes {stable_mosaic.version = 14 : i64} {
  func.func @seg(%arg0: i32, %arg1: i32, %arg2: memref<10000x128xf32, #tpu.memory_space<hbm>>, %arg3: memref<320000x16xf32, #tpu.memory_space<hbm>>, %arg4: memref<320000xi32, #tpu.memory_space<hbm>>, %arg5: memref<320000xi32, #tpu.memory_space<hbm>>, %arg6: memref<80x128xf32, #tpu.memory_space<hbm>>, %arg7: memref<80x16xf32, #tpu.memory_space<hbm>>, %arg8: memref<20480x128xf32, #tpu.memory_space<hbm>>, %arg9: memref<20480x16xf32, #tpu.memory_space<hbm>>, %arg10: memref<10240x128xf32, #tpu.memory_space<vmem_shared>>, %arg11: memref<10240x16xf32, #tpu.memory_space<vmem_shared>>, %arg12: memref<80xi32, #tpu.memory_space<vmem>>, %arg13: memref<80xi32, #tpu.memory_space<vmem>>, %arg14: memref<80xi32, #tpu.memory_space<vmem>>, %arg15: memref<80xi32, #tpu.memory_space<vmem>>, %arg16: memref<80x128xf32, #tpu.memory_space<vmem>>, %arg17: memref<80x128xf32, #tpu.memory_space<vmem>>, %arg18: memref<80x16xf32, #tpu.memory_space<vmem>>, %arg19: memref<80x16xf32, #tpu.memory_space<vmem>>, %arg20: memref<!tpu.dma_semaphore, #tpu.memory_space<semaphore_mem>>, %arg21: memref<!tpu.dma_semaphore, #tpu.memory_space<semaphore_mem>>, %arg22: memref<!tpu.dma_semaphore, #tpu.memory_space<semaphore_mem>>, %arg23: memref<!tpu.dma_semaphore, #tpu.memory_space<semaphore_mem>>, %arg24: memref<!tpu.dma_semaphore, #tpu.memory_space<semaphore_mem>>, %arg25: memref<!tpu.dma_semaphore, #tpu.memory_space<semaphore_mem>>) attributes {dimension_semantics = [#tpu.dimension_semantics<core_parallel>, #tpu.dimension_semantics<subcore_parallel>], iteration_bounds = array<i64: 2, 16>, scalar_prefetch = 0 : i64, scratch_operands = 16 : i64, tpu.core_type = #tpu.core_type<sc_vector_subcore>, window_params = [{transform_indices = #map}, {transform_indices = #map}, {transform_indices = #map1}, {transform_indices = #map1}, {transform_indices = #map}, {transform_indices = #map}, {transform_indices = #map}, {transform_indices = #map}]} {
    %mul3A = arith.constant 2 : i32
    %mul3A_0 = arith.muli %arg1, %mul3A : i32
    %add3A = arith.addi %mul3A_0, %arg0 : i32
    "tpu.region"() ({
      %run_scoped3A = tpu.sem_alloc : memref<!tpu.dma_semaphore, #tpu.memory_space<semaphore_mem>>
      tpu.enqueue_dma source(%arg6 : memref<80x128xf32, #tpu.memory_space<hbm>>) target(%arg16 : memref<80x128xf32, #tpu.memory_space<vmem>>) target_semaphore(%run_scoped3A : memref<!tpu.dma_semaphore, #tpu.memory_space<semaphore_mem>>)
      tpu.wait_dma2 semaphore(%run_scoped3A : memref<!tpu.dma_semaphore, #tpu.memory_space<semaphore_mem>>) src(%arg6 : memref<80x128xf32, #tpu.memory_space<hbm>>) dst(%arg16 : memref<80x128xf32, #tpu.memory_space<vmem>>)
      tpu.yield
    }) : () -> ()
    "tpu.region"() ({
      %run_scoped3A = tpu.sem_alloc : memref<!tpu.dma_semaphore, #tpu.memory_space<semaphore_mem>>
      tpu.enqueue_dma source(%arg7 : memref<80x16xf32, #tpu.memory_space<hbm>>) target(%arg18 : memref<80x16xf32, #tpu.memory_space<vmem>>) target_semaphore(%run_scoped3A : memref<!tpu.dma_semaphore, #tpu.memory_space<semaphore_mem>>)
      tpu.wait_dma2 semaphore(%run_scoped3A : memref<!tpu.dma_semaphore, #tpu.memory_space<semaphore_mem>>) src(%arg7 : memref<80x16xf32, #tpu.memory_space<hbm>>) dst(%arg18 : memref<80x16xf32, #tpu.memory_space<vmem>>)
      tpu.yield
    }) : () -> ()
    %mul3A_1 = arith.constant 8 : i32
    %mul3A_2 = arith.muli %arg1, %mul3A_1 : i32
    %add3A_3 = arith.constant 0 : i32
    %add3A_4 = arith.addi %mul3A_2, %add3A_3 : i32
    %mul3A_5 = arith.constant 80 : i32
    %mul3A_6 = arith.muli %add3A_4, %mul3A_5 : i32
    %multiple_of3A = tpu.assume_multiple %mul3A_6, 80 : i32
    "tpu.region"() ({
      %run_scoped3A = tpu.sem_alloc : memref<!tpu.dma_semaphore, #tpu.memory_space<semaphore_mem>>
      %dma_start3A_246 = arith.constant 0 : i32
      %dma_start3A_247 = tpu.memref_slice %arg10[%multiple_of3A, %dma_start3A_246] : memref<10240x128xf32, #tpu.memory_space<vmem_shared>> -> memref<80x128xf32, #tpu.memory_space<vmem_shared>>
      %dma_start3A_248 = arith.constant 0 : i32
      %dma_start3A_249 = tpu.memref_slice %arg10[%multiple_of3A, %dma_start3A_248] : memref<10240x128xf32, #tpu.memory_space<vmem_shared>> -> memref<80x128xf32, #tpu.memory_space<vmem_shared>>
      tpu.enqueue_dma source(%arg16 : memref<80x128xf32, #tpu.memory_space<vmem>>) target(%dma_start3A_249 : memref<80x128xf32, #tpu.memory_space<vmem_shared>>) target_semaphore(%run_scoped3A : memref<!tpu.dma_semaphore, #tpu.memory_space<semaphore_mem>>)
      %dma_wait3A_250 = arith.constant 0 : i32
      %dma_wait3A_251 = tpu.memref_slice %arg10[%multiple_of3A, %dma_wait3A_250] : memref<10240x128xf32, #tpu.memory_space<vmem_shared>> -> memref<80x128xf32, #tpu.memory_space<vmem_shared>>
      %dma_wait3A_252 = arith.constant 0 : i32
      %dma_wait3A_253 = tpu.memref_slice %arg10[%multiple_of3A, %dma_wait3A_252] : memref<10240x128xf32, #tpu.memory_space<vmem_shared>> -> memref<80x128xf32, #tpu.memory_space<vmem_shared>>
      tpu.wait_dma2 semaphore(%run_scoped3A : memref<!tpu.dma_semaphore, #tpu.memory_space<semaphore_mem>>) src(%arg16 : memref<80x128xf32, #tpu.memory_space<vmem>>) dst(%dma_wait3A_253 : memref<80x128xf32, #tpu.memory_space<vmem_shared>>)
      tpu.yield
    }) : () -> ()
    "tpu.region"() ({
      %run_scoped3A = tpu.sem_alloc : memref<!tpu.dma_semaphore, #tpu.memory_space<semaphore_mem>>
      %dma_start3A_246 = arith.constant 0 : i32
      %dma_start3A_247 = tpu.memref_slice %arg11[%multiple_of3A, %dma_start3A_246] : memref<10240x16xf32, #tpu.memory_space<vmem_shared>> -> memref<80x16xf32, #tpu.memory_space<vmem_shared>>
      %dma_start3A_248 = arith.constant 0 : i32
      %dma_start3A_249 = tpu.memref_slice %arg11[%multiple_of3A, %dma_start3A_248] : memref<10240x16xf32, #tpu.memory_space<vmem_shared>> -> memref<80x16xf32, #tpu.memory_space<vmem_shared>>
      tpu.enqueue_dma source(%arg18 : memref<80x16xf32, #tpu.memory_space<vmem>>) target(%dma_start3A_249 : memref<80x16xf32, #tpu.memory_space<vmem_shared>>) target_semaphore(%run_scoped3A : memref<!tpu.dma_semaphore, #tpu.memory_space<semaphore_mem>>)
      %dma_wait3A_250 = arith.constant 0 : i32
      %dma_wait3A_251 = tpu.memref_slice %arg11[%multiple_of3A, %dma_wait3A_250] : memref<10240x16xf32, #tpu.memory_space<vmem_shared>> -> memref<80x16xf32, #tpu.memory_space<vmem_shared>>
      %dma_wait3A_252 = arith.constant 0 : i32
      %dma_wait3A_253 = tpu.memref_slice %arg11[%multiple_of3A, %dma_wait3A_252] : memref<10240x16xf32, #tpu.memory_space<vmem_shared>> -> memref<80x16xf32, #tpu.memory_space<vmem_shared>>
      tpu.wait_dma2 semaphore(%run_scoped3A : memref<!tpu.dma_semaphore, #tpu.memory_space<semaphore_mem>>) src(%arg18 : memref<80x16xf32, #tpu.memory_space<vmem>>) dst(%dma_wait3A_253 : memref<80x16xf32, #tpu.memory_space<vmem_shared>>)
      tpu.yield
    }) : () -> ()
    %mul3A_7 = arith.constant 8 : i32
    %mul3A_8 = arith.muli %arg1, %mul3A_7 : i32
    %add3A_9 = arith.constant 1 : i32
    %add3A_10 = arith.addi %mul3A_8, %add3A_9 : i32
    %mul3A_11 = arith.constant 80 : i32
    %mul3A_12 = arith.muli %add3A_10, %mul3A_11 : i32
    %multiple_of3A_13 = tpu.assume_multiple %mul3A_12, 80 : i32
    "tpu.region"() ({
      %run_scoped3A = tpu.sem_alloc : memref<!tpu.dma_semaphore, #tpu.memory_space<semaphore_mem>>
      %dma_start3A_246 = arith.constant 0 : i32
      %dma_start3A_247 = tpu.memref_slice %arg10[%multiple_of3A_13, %dma_start3A_246] : memref<10240x128xf32, #tpu.memory_space<vmem_shared>> -> memref<80x128xf32, #tpu.memory_space<vmem_shared>>
      %dma_start3A_248 = arith.constant 0 : i32
      %dma_start3A_249 = tpu.memref_slice %arg10[%multiple_of3A_13, %dma_start3A_248] : memref<10240x128xf32, #tpu.memory_space<vmem_shared>> -> memref<80x128xf32, #tpu.memory_space<vmem_shared>>
      tpu.enqueue_dma source(%arg16 : memref<80x128xf32, #tpu.memory_space<vmem>>) target(%dma_start3A_249 : memref<80x128xf32, #tpu.memory_space<vmem_shared>>) target_semaphore(%run_scoped3A : memref<!tpu.dma_semaphore, #tpu.memory_space<semaphore_mem>>)
      %dma_wait3A_250 = arith.constant 0 : i32
      %dma_wait3A_251 = tpu.memref_slice %arg10[%multiple_of3A_13, %dma_wait3A_250] : memref<10240x128xf32, #tpu.memory_space<vmem_shared>> -> memref<80x128xf32, #tpu.memory_space<vmem_shared>>
      %dma_wait3A_252 = arith.constant 0 : i32
      %dma_wait3A_253 = tpu.memref_slice %arg10[%multiple_of3A_13, %dma_wait3A_252] : memref<10240x128xf32, #tpu.memory_space<vmem_shared>> -> memref<80x128xf32, #tpu.memory_space<vmem_shared>>
      tpu.wait_dma2 semaphore(%run_scoped3A : memref<!tpu.dma_semaphore, #tpu.memory_space<semaphore_mem>>) src(%arg16 : memref<80x128xf32, #tpu.memory_space<vmem>>) dst(%dma_wait3A_253 : memref<80x128xf32, #tpu.memory_space<vmem_shared>>)
      tpu.yield
    }) : () -> ()
    "tpu.region"() ({
      %run_scoped3A = tpu.sem_alloc : memref<!tpu.dma_semaphore, #tpu.memory_space<semaphore_mem>>
      %dma_start3A_246 = arith.constant 0 : i32
      %dma_start3A_247 = tpu.memref_slice %arg11[%multiple_of3A_13, %dma_start3A_246] : memref<10240x16xf32, #tpu.memory_space<vmem_shared>> -> memref<80x16xf32, #tpu.memory_space<vmem_shared>>
      %dma_start3A_248 = arith.constant 0 : i32
      %dma_start3A_249 = tpu.memref_slice %arg11[%multiple_of3A_13, %dma_start3A_248] : memref<10240x16xf32, #tpu.memory_space<vmem_shared>> -> memref<80x16xf32, #tpu.memory_space<vmem_shared>>
      tpu.enqueue_dma source(%arg18 : memref<80x16xf32, #tpu.memory_space<vmem>>) target(%dma_start3A_249 : memref<80x16xf32, #tpu.memory_space<vmem_shared>>) target_semaphore(%run_scoped3A : memref<!tpu.dma_semaphore, #tpu.memory_space<semaphore_mem>>)
      %dma_wait3A_250 = arith.constant 0 : i32
      %dma_wait3A_251 = tpu.memref_slice %arg11[%multiple_of3A_13, %dma_wait3A_250] : memref<10240x16xf32, #tpu.memory_space<vmem_shared>> -> memref<80x16xf32, #tpu.memory_space<vmem_shared>>
      %dma_wait3A_252 = arith.constant 0 : i32
      %dma_wait3A_253 = tpu.memref_slice %arg11[%multiple_of3A_13, %dma_wait3A_252] : memref<10240x16xf32, #tpu.memory_space<vmem_shared>> -> memref<80x16xf32, #tpu.memory_space<vmem_shared>>
      tpu.wait_dma2 semaphore(%run_scoped3A : memref<!tpu.dma_semaphore, #tpu.memory_space<semaphore_mem>>) src(%arg18 : memref<80x16xf32, #tpu.memory_space<vmem>>) dst(%dma_wait3A_253 : memref<80x16xf32, #tpu.memory_space<vmem_shared>>)
      tpu.yield
    }) : () -> ()
    %mul3A_14 = arith.constant 8 : i32
    %mul3A_15 = arith.muli %arg1, %mul3A_14 : i32
    %add3A_16 = arith.constant 2 : i32
    %add3A_17 = arith.addi %mul3A_15, %add3A_16 : i32
    %mul3A_18 = arith.constant 80 : i32
    %mul3A_19 = arith.muli %add3A_17, %mul3A_18 : i32
    %multiple_of3A_20 = tpu.assume_multiple %mul3A_19, 80 : i32
    "tpu.region"() ({
      %run_scoped3A = tpu.sem_alloc : memref<!tpu.dma_semaphore, #tpu.memory_space<semaphore_mem>>
      %dma_start3A_246 = arith.constant 0 : i32
      %dma_start3A_247 = tpu.memref_slice %arg10[%multiple_of3A_20, %dma_start3A_246] : memref<10240x128xf32, #tpu.memory_space<vmem_shared>> -> memref<80x128xf32, #tpu.memory_space<vmem_shared>>
      %dma_start3A_248 = arith.constant 0 : i32
      %dma_start3A_249 = tpu.memref_slice %arg10[%multiple_of3A_20, %dma_start3A_248] : memref<10240x128xf32, #tpu.memory_space<vmem_shared>> -> memref<80x128xf32, #tpu.memory_space<vmem_shared>>
      tpu.enqueue_dma source(%arg16 : memref<80x128xf32, #tpu.memory_space<vmem>>) target(%dma_start3A_249 : memref<80x128xf32, #tpu.memory_space<vmem_shared>>) target_semaphore(%run_scoped3A : memref<!tpu.dma_semaphore, #tpu.memory_space<semaphore_mem>>)
      %dma_wait3A_250 = arith.constant 0 : i32
      %dma_wait3A_251 = tpu.memref_slice %arg10[%multiple_of3A_20, %dma_wait3A_250] : memref<10240x128xf32, #tpu.memory_space<vmem_shared>> -> memref<80x128xf32, #tpu.memory_space<vmem_shared>>
      %dma_wait3A_252 = arith.constant 0 : i32
      %dma_wait3A_253 = tpu.memref_slice %arg10[%multiple_of3A_20, %dma_wait3A_252] : memref<10240x128xf32, #tpu.memory_space<vmem_shared>> -> memref<80x128xf32, #tpu.memory_space<vmem_shared>>
      tpu.wait_dma2 semaphore(%run_scoped3A : memref<!tpu.dma_semaphore, #tpu.memory_space<semaphore_mem>>) src(%arg16 : memref<80x128xf32, #tpu.memory_space<vmem>>) dst(%dma_wait3A_253 : memref<80x128xf32, #tpu.memory_space<vmem_shared>>)
      tpu.yield
    }) : () -> ()
    "tpu.region"() ({
      %run_scoped3A = tpu.sem_alloc : memref<!tpu.dma_semaphore, #tpu.memory_space<semaphore_mem>>
      %dma_start3A_246 = arith.constant 0 : i32
      %dma_start3A_247 = tpu.memref_slice %arg11[%multiple_of3A_20, %dma_start3A_246] : memref<10240x16xf32, #tpu.memory_space<vmem_shared>> -> memref<80x16xf32, #tpu.memory_space<vmem_shared>>
      %dma_start3A_248 = arith.constant 0 : i32
      %dma_start3A_249 = tpu.memref_slice %arg11[%multiple_of3A_20, %dma_start3A_248] : memref<10240x16xf32, #tpu.memory_space<vmem_shared>> -> memref<80x16xf32, #tpu.memory_space<vmem_shared>>
      tpu.enqueue_dma source(%arg18 : memref<80x16xf32, #tpu.memory_space<vmem>>) target(%dma_start3A_249 : memref<80x16xf32, #tpu.memory_space<vmem_shared>>) target_semaphore(%run_scoped3A : memref<!tpu.dma_semaphore, #tpu.memory_space<semaphore_mem>>)
      %dma_wait3A_250 = arith.constant 0 : i32
      %dma_wait3A_251 = tpu.memref_slice %arg11[%multiple_of3A_20, %dma_wait3A_250] : memref<10240x16xf32, #tpu.memory_space<vmem_shared>> -> memref<80x16xf32, #tpu.memory_space<vmem_shared>>
      %dma_wait3A_252 = arith.constant 0 : i32
      %dma_wait3A_253 = tpu.memref_slice %arg11[%multiple_of3A_20, %dma_wait3A_252] : memref<10240x16xf32, #tpu.memory_space<vmem_shared>> -> memref<80x16xf32, #tpu.memory_space<vmem_shared>>
      tpu.wait_dma2 semaphore(%run_scoped3A : memref<!tpu.dma_semaphore, #tpu.memory_space<semaphore_mem>>) src(%arg18 : memref<80x16xf32, #tpu.memory_space<vmem>>) dst(%dma_wait3A_253 : memref<80x16xf32, #tpu.memory_space<vmem_shared>>)
      tpu.yield
    }) : () -> ()
    %mul3A_21 = arith.constant 8 : i32
    %mul3A_22 = arith.muli %arg1, %mul3A_21 : i32
    %add3A_23 = arith.constant 3 : i32
    %add3A_24 = arith.addi %mul3A_22, %add3A_23 : i32
    %mul3A_25 = arith.constant 80 : i32
    %mul3A_26 = arith.muli %add3A_24, %mul3A_25 : i32
    %multiple_of3A_27 = tpu.assume_multiple %mul3A_26, 80 : i32
    "tpu.region"() ({
      %run_scoped3A = tpu.sem_alloc : memref<!tpu.dma_semaphore, #tpu.memory_space<semaphore_mem>>
      %dma_start3A_246 = arith.constant 0 : i32
      %dma_start3A_247 = tpu.memref_slice %arg10[%multiple_of3A_27, %dma_start3A_246] : memref<10240x128xf32, #tpu.memory_space<vmem_shared>> -> memref<80x128xf32, #tpu.memory_space<vmem_shared>>
      %dma_start3A_248 = arith.constant 0 : i32
      %dma_start3A_249 = tpu.memref_slice %arg10[%multiple_of3A_27, %dma_start3A_248] : memref<10240x128xf32, #tpu.memory_space<vmem_shared>> -> memref<80x128xf32, #tpu.memory_space<vmem_shared>>
      tpu.enqueue_dma source(%arg16 : memref<80x128xf32, #tpu.memory_space<vmem>>) target(%dma_start3A_249 : memref<80x128xf32, #tpu.memory_space<vmem_shared>>) target_semaphore(%run_scoped3A : memref<!tpu.dma_semaphore, #tpu.memory_space<semaphore_mem>>)
      %dma_wait3A_250 = arith.constant 0 : i32
      %dma_wait3A_251 = tpu.memref_slice %arg10[%multiple_of3A_27, %dma_wait3A_250] : memref<10240x128xf32, #tpu.memory_space<vmem_shared>> -> memref<80x128xf32, #tpu.memory_space<vmem_shared>>
      %dma_wait3A_252 = arith.constant 0 : i32
      %dma_wait3A_253 = tpu.memref_slice %arg10[%multiple_of3A_27, %dma_wait3A_252] : memref<10240x128xf32, #tpu.memory_space<vmem_shared>> -> memref<80x128xf32, #tpu.memory_space<vmem_shared>>
      tpu.wait_dma2 semaphore(%run_scoped3A : memref<!tpu.dma_semaphore, #tpu.memory_space<semaphore_mem>>) src(%arg16 : memref<80x128xf32, #tpu.memory_space<vmem>>) dst(%dma_wait3A_253 : memref<80x128xf32, #tpu.memory_space<vmem_shared>>)
      tpu.yield
    }) : () -> ()
    "tpu.region"() ({
      %run_scoped3A = tpu.sem_alloc : memref<!tpu.dma_semaphore, #tpu.memory_space<semaphore_mem>>
      %dma_start3A_246 = arith.constant 0 : i32
      %dma_start3A_247 = tpu.memref_slice %arg11[%multiple_of3A_27, %dma_start3A_246] : memref<10240x16xf32, #tpu.memory_space<vmem_shared>> -> memref<80x16xf32, #tpu.memory_space<vmem_shared>>
      %dma_start3A_248 = arith.constant 0 : i32
      %dma_start3A_249 = tpu.memref_slice %arg11[%multiple_of3A_27, %dma_start3A_248] : memref<10240x16xf32, #tpu.memory_space<vmem_shared>> -> memref<80x16xf32, #tpu.memory_space<vmem_shared>>
      tpu.enqueue_dma source(%arg18 : memref<80x16xf32, #tpu.memory_space<vmem>>) target(%dma_start3A_249 : memref<80x16xf32, #tpu.memory_space<vmem_shared>>) target_semaphore(%run_scoped3A : memref<!tpu.dma_semaphore, #tpu.memory_space<semaphore_mem>>)
      %dma_wait3A_250 = arith.constant 0 : i32
      %dma_wait3A_251 = tpu.memref_slice %arg11[%multiple_of3A_27, %dma_wait3A_250] : memref<10240x16xf32, #tpu.memory_space<vmem_shared>> -> memref<80x16xf32, #tpu.memory_space<vmem_shared>>
      %dma_wait3A_252 = arith.constant 0 : i32
      %dma_wait3A_253 = tpu.memref_slice %arg11[%multiple_of3A_27, %dma_wait3A_252] : memref<10240x16xf32, #tpu.memory_space<vmem_shared>> -> memref<80x16xf32, #tpu.memory_space<vmem_shared>>
      tpu.wait_dma2 semaphore(%run_scoped3A : memref<!tpu.dma_semaphore, #tpu.memory_space<semaphore_mem>>) src(%arg18 : memref<80x16xf32, #tpu.memory_space<vmem>>) dst(%dma_wait3A_253 : memref<80x16xf32, #tpu.memory_space<vmem_shared>>)
      tpu.yield
    }) : () -> ()
    %mul3A_28 = arith.constant 8 : i32
    %mul3A_29 = arith.muli %arg1, %mul3A_28 : i32
    %add3A_30 = arith.constant 4 : i32
    %add3A_31 = arith.addi %mul3A_29, %add3A_30 : i32
    %mul3A_32 = arith.constant 80 : i32
    %mul3A_33 = arith.muli %add3A_31, %mul3A_32 : i32
    %multiple_of3A_34 = tpu.assume_multiple %mul3A_33, 80 : i32
    "tpu.region"() ({
      %run_scoped3A = tpu.sem_alloc : memref<!tpu.dma_semaphore, #tpu.memory_space<semaphore_mem>>
      %dma_start3A_246 = arith.constant 0 : i32
      %dma_start3A_247 = tpu.memref_slice %arg10[%multiple_of3A_34, %dma_start3A_246] : memref<10240x128xf32, #tpu.memory_space<vmem_shared>> -> memref<80x128xf32, #tpu.memory_space<vmem_shared>>
      %dma_start3A_248 = arith.constant 0 : i32
      %dma_start3A_249 = tpu.memref_slice %arg10[%multiple_of3A_34, %dma_start3A_248] : memref<10240x128xf32, #tpu.memory_space<vmem_shared>> -> memref<80x128xf32, #tpu.memory_space<vmem_shared>>
      tpu.enqueue_dma source(%arg16 : memref<80x128xf32, #tpu.memory_space<vmem>>) target(%dma_start3A_249 : memref<80x128xf32, #tpu.memory_space<vmem_shared>>) target_semaphore(%run_scoped3A : memref<!tpu.dma_semaphore, #tpu.memory_space<semaphore_mem>>)
      %dma_wait3A_250 = arith.constant 0 : i32
      %dma_wait3A_251 = tpu.memref_slice %arg10[%multiple_of3A_34, %dma_wait3A_250] : memref<10240x128xf32, #tpu.memory_space<vmem_shared>> -> memref<80x128xf32, #tpu.memory_space<vmem_shared>>
      %dma_wait3A_252 = arith.constant 0 : i32
      %dma_wait3A_253 = tpu.memref_slice %arg10[%multiple_of3A_34, %dma_wait3A_252] : memref<10240x128xf32, #tpu.memory_space<vmem_shared>> -> memref<80x128xf32, #tpu.memory_space<vmem_shared>>
      tpu.wait_dma2 semaphore(%run_scoped3A : memref<!tpu.dma_semaphore, #tpu.memory_space<semaphore_mem>>) src(%arg16 : memref<80x128xf32, #tpu.memory_space<vmem>>) dst(%dma_wait3A_253 : memref<80x128xf32, #tpu.memory_space<vmem_shared>>)
      tpu.yield
    }) : () -> ()
    "tpu.region"() ({
      %run_scoped3A = tpu.sem_alloc : memref<!tpu.dma_semaphore, #tpu.memory_space<semaphore_mem>>
      %dma_start3A_246 = arith.constant 0 : i32
      %dma_start3A_247 = tpu.memref_slice %arg11[%multiple_of3A_34, %dma_start3A_246] : memref<10240x16xf32, #tpu.memory_space<vmem_shared>> -> memref<80x16xf32, #tpu.memory_space<vmem_shared>>
      %dma_start3A_248 = arith.constant 0 : i32
      %dma_start3A_249 = tpu.memref_slice %arg11[%multiple_of3A_34, %dma_start3A_248] : memref<10240x16xf32, #tpu.memory_space<vmem_shared>> -> memref<80x16xf32, #tpu.memory_space<vmem_shared>>
      tpu.enqueue_dma source(%arg18 : memref<80x16xf32, #tpu.memory_space<vmem>>) target(%dma_start3A_249 : memref<80x16xf32, #tpu.memory_space<vmem_shared>>) target_semaphore(%run_scoped3A : memref<!tpu.dma_semaphore, #tpu.memory_space<semaphore_mem>>)
      %dma_wait3A_250 = arith.constant 0 : i32
      %dma_wait3A_251 = tpu.memref_slice %arg11[%multiple_of3A_34, %dma_wait3A_250] : memref<10240x16xf32, #tpu.memory_space<vmem_shared>> -> memref<80x16xf32, #tpu.memory_space<vmem_shared>>
      %dma_wait3A_252 = arith.constant 0 : i32
      %dma_wait3A_253 = tpu.memref_slice %arg11[%multiple_of3A_34, %dma_wait3A_252] : memref<10240x16xf32, #tpu.memory_space<vmem_shared>> -> memref<80x16xf32, #tpu.memory_space<vmem_shared>>
      tpu.wait_dma2 semaphore(%run_scoped3A : memref<!tpu.dma_semaphore, #tpu.memory_space<semaphore_mem>>) src(%arg18 : memref<80x16xf32, #tpu.memory_space<vmem>>) dst(%dma_wait3A_253 : memref<80x16xf32, #tpu.memory_space<vmem_shared>>)
      tpu.yield
    }) : () -> ()
    %mul3A_35 = arith.constant 8 : i32
    %mul3A_36 = arith.muli %arg1, %mul3A_35 : i32
    %add3A_37 = arith.constant 5 : i32
    %add3A_38 = arith.addi %mul3A_36, %add3A_37 : i32
    %mul3A_39 = arith.constant 80 : i32
    %mul3A_40 = arith.muli %add3A_38, %mul3A_39 : i32
    %multiple_of3A_41 = tpu.assume_multiple %mul3A_40, 80 : i32
    "tpu.region"() ({
      %run_scoped3A = tpu.sem_alloc : memref<!tpu.dma_semaphore, #tpu.memory_space<semaphore_mem>>
      %dma_start3A_246 = arith.constant 0 : i32
      %dma_start3A_247 = tpu.memref_slice %arg10[%multiple_of3A_41, %dma_start3A_246] : memref<10240x128xf32, #tpu.memory_space<vmem_shared>> -> memref<80x128xf32, #tpu.memory_space<vmem_shared>>
      %dma_start3A_248 = arith.constant 0 : i32
      %dma_start3A_249 = tpu.memref_slice %arg10[%multiple_of3A_41, %dma_start3A_248] : memref<10240x128xf32, #tpu.memory_space<vmem_shared>> -> memref<80x128xf32, #tpu.memory_space<vmem_shared>>
      tpu.enqueue_dma source(%arg16 : memref<80x128xf32, #tpu.memory_space<vmem>>) target(%dma_start3A_249 : memref<80x128xf32, #tpu.memory_space<vmem_shared>>) target_semaphore(%run_scoped3A : memref<!tpu.dma_semaphore, #tpu.memory_space<semaphore_mem>>)
      %dma_wait3A_250 = arith.constant 0 : i32
      %dma_wait3A_251 = tpu.memref_slice %arg10[%multiple_of3A_41, %dma_wait3A_250] : memref<10240x128xf32, #tpu.memory_space<vmem_shared>> -> memref<80x128xf32, #tpu.memory_space<vmem_shared>>
      %dma_wait3A_252 = arith.constant 0 : i32
      %dma_wait3A_253 = tpu.memref_slice %arg10[%multiple_of3A_41, %dma_wait3A_252] : memref<10240x128xf32, #tpu.memory_space<vmem_shared>> -> memref<80x128xf32, #tpu.memory_space<vmem_shared>>
      tpu.wait_dma2 semaphore(%run_scoped3A : memref<!tpu.dma_semaphore, #tpu.memory_space<semaphore_mem>>) src(%arg16 : memref<80x128xf32, #tpu.memory_space<vmem>>) dst(%dma_wait3A_253 : memref<80x128xf32, #tpu.memory_space<vmem_shared>>)
      tpu.yield
    }) : () -> ()
    "tpu.region"() ({
      %run_scoped3A = tpu.sem_alloc : memref<!tpu.dma_semaphore, #tpu.memory_space<semaphore_mem>>
      %dma_start3A_246 = arith.constant 0 : i32
      %dma_start3A_247 = tpu.memref_slice %arg11[%multiple_of3A_41, %dma_start3A_246] : memref<10240x16xf32, #tpu.memory_space<vmem_shared>> -> memref<80x16xf32, #tpu.memory_space<vmem_shared>>
      %dma_start3A_248 = arith.constant 0 : i32
      %dma_start3A_249 = tpu.memref_slice %arg11[%multiple_of3A_41, %dma_start3A_248] : memref<10240x16xf32, #tpu.memory_space<vmem_shared>> -> memref<80x16xf32, #tpu.memory_space<vmem_shared>>
      tpu.enqueue_dma source(%arg18 : memref<80x16xf32, #tpu.memory_space<vmem>>) target(%dma_start3A_249 : memref<80x16xf32, #tpu.memory_space<vmem_shared>>) target_semaphore(%run_scoped3A : memref<!tpu.dma_semaphore, #tpu.memory_space<semaphore_mem>>)
      %dma_wait3A_250 = arith.constant 0 : i32
      %dma_wait3A_251 = tpu.memref_slice %arg11[%multiple_of3A_41, %dma_wait3A_250] : memref<10240x16xf32, #tpu.memory_space<vmem_shared>> -> memref<80x16xf32, #tpu.memory_space<vmem_shared>>
      %dma_wait3A_252 = arith.constant 0 : i32
      %dma_wait3A_253 = tpu.memref_slice %arg11[%multiple_of3A_41, %dma_wait3A_252] : memref<10240x16xf32, #tpu.memory_space<vmem_shared>> -> memref<80x16xf32, #tpu.memory_space<vmem_shared>>
      tpu.wait_dma2 semaphore(%run_scoped3A : memref<!tpu.dma_semaphore, #tpu.memory_space<semaphore_mem>>) src(%arg18 : memref<80x16xf32, #tpu.memory_space<vmem>>) dst(%dma_wait3A_253 : memref<80x16xf32, #tpu.memory_space<vmem_shared>>)
      tpu.yield
    }) : () -> ()
    %mul3A_42 = arith.constant 8 : i32
    %mul3A_43 = arith.muli %arg1, %mul3A_42 : i32
    %add3A_44 = arith.constant 6 : i32
    %add3A_45 = arith.addi %mul3A_43, %add3A_44 : i32
    %mul3A_46 = arith.constant 80 : i32
    %mul3A_47 = arith.muli %add3A_45, %mul3A_46 : i32
    %multiple_of3A_48 = tpu.assume_multiple %mul3A_47, 80 : i32
    "tpu.region"() ({
      %run_scoped3A = tpu.sem_alloc : memref<!tpu.dma_semaphore, #tpu.memory_space<semaphore_mem>>
      %dma_start3A_246 = arith.constant 0 : i32
      %dma_start3A_247 = tpu.memref_slice %arg10[%multiple_of3A_48, %dma_start3A_246] : memref<10240x128xf32, #tpu.memory_space<vmem_shared>> -> memref<80x128xf32, #tpu.memory_space<vmem_shared>>
      %dma_start3A_248 = arith.constant 0 : i32
      %dma_start3A_249 = tpu.memref_slice %arg10[%multiple_of3A_48, %dma_start3A_248] : memref<10240x128xf32, #tpu.memory_space<vmem_shared>> -> memref<80x128xf32, #tpu.memory_space<vmem_shared>>
      tpu.enqueue_dma source(%arg16 : memref<80x128xf32, #tpu.memory_space<vmem>>) target(%dma_start3A_249 : memref<80x128xf32, #tpu.memory_space<vmem_shared>>) target_semaphore(%run_scoped3A : memref<!tpu.dma_semaphore, #tpu.memory_space<semaphore_mem>>)
      %dma_wait3A_250 = arith.constant 0 : i32
      %dma_wait3A_251 = tpu.memref_slice %arg10[%multiple_of3A_48, %dma_wait3A_250] : memref<10240x128xf32, #tpu.memory_space<vmem_shared>> -> memref<80x128xf32, #tpu.memory_space<vmem_shared>>
      %dma_wait3A_252 = arith.constant 0 : i32
      %dma_wait3A_253 = tpu.memref_slice %arg10[%multiple_of3A_48, %dma_wait3A_252] : memref<10240x128xf32, #tpu.memory_space<vmem_shared>> -> memref<80x128xf32, #tpu.memory_space<vmem_shared>>
      tpu.wait_dma2 semaphore(%run_scoped3A : memref<!tpu.dma_semaphore, #tpu.memory_space<semaphore_mem>>) src(%arg16 : memref<80x128xf32, #tpu.memory_space<vmem>>) dst(%dma_wait3A_253 : memref<80x128xf32, #tpu.memory_space<vmem_shared>>)
      tpu.yield
    }) : () -> ()
    "tpu.region"() ({
      %run_scoped3A = tpu.sem_alloc : memref<!tpu.dma_semaphore, #tpu.memory_space<semaphore_mem>>
      %dma_start3A_246 = arith.constant 0 : i32
      %dma_start3A_247 = tpu.memref_slice %arg11[%multiple_of3A_48, %dma_start3A_246] : memref<10240x16xf32, #tpu.memory_space<vmem_shared>> -> memref<80x16xf32, #tpu.memory_space<vmem_shared>>
      %dma_start3A_248 = arith.constant 0 : i32
      %dma_start3A_249 = tpu.memref_slice %arg11[%multiple_of3A_48, %dma_start3A_248] : memref<10240x16xf32, #tpu.memory_space<vmem_shared>> -> memref<80x16xf32, #tpu.memory_space<vmem_shared>>
      tpu.enqueue_dma source(%arg18 : memref<80x16xf32, #tpu.memory_space<vmem>>) target(%dma_start3A_249 : memref<80x16xf32, #tpu.memory_space<vmem_shared>>) target_semaphore(%run_scoped3A : memref<!tpu.dma_semaphore, #tpu.memory_space<semaphore_mem>>)
      %dma_wait3A_250 = arith.constant 0 : i32
      %dma_wait3A_251 = tpu.memref_slice %arg11[%multiple_of3A_48, %dma_wait3A_250] : memref<10240x16xf32, #tpu.memory_space<vmem_shared>> -> memref<80x16xf32, #tpu.memory_space<vmem_shared>>
      %dma_wait3A_252 = arith.constant 0 : i32
      %dma_wait3A_253 = tpu.memref_slice %arg11[%multiple_of3A_48, %dma_wait3A_252] : memref<10240x16xf32, #tpu.memory_space<vmem_shared>> -> memref<80x16xf32, #tpu.memory_space<vmem_shared>>
      tpu.wait_dma2 semaphore(%run_scoped3A : memref<!tpu.dma_semaphore, #tpu.memory_space<semaphore_mem>>) src(%arg18 : memref<80x16xf32, #tpu.memory_space<vmem>>) dst(%dma_wait3A_253 : memref<80x16xf32, #tpu.memory_space<vmem_shared>>)
      tpu.yield
    }) : () -> ()
    %mul3A_49 = arith.constant 8 : i32
    %mul3A_50 = arith.muli %arg1, %mul3A_49 : i32
    %add3A_51 = arith.constant 7 : i32
    %add3A_52 = arith.addi %mul3A_50, %add3A_51 : i32
    %mul3A_53 = arith.constant 80 : i32
    %mul3A_54 = arith.muli %add3A_52, %mul3A_53 : i32
    %multiple_of3A_55 = tpu.assume_multiple %mul3A_54, 80 : i32
    "tpu.region"() ({
      %run_scoped3A = tpu.sem_alloc : memref<!tpu.dma_semaphore, #tpu.memory_space<semaphore_mem>>
      %dma_start3A_246 = arith.constant 0 : i32
      %dma_start3A_247 = tpu.memref_slice %arg10[%multiple_of3A_55, %dma_start3A_246] : memref<10240x128xf32, #tpu.memory_space<vmem_shared>> -> memref<80x128xf32, #tpu.memory_space<vmem_shared>>
      %dma_start3A_248 = arith.constant 0 : i32
      %dma_start3A_249 = tpu.memref_slice %arg10[%multiple_of3A_55, %dma_start3A_248] : memref<10240x128xf32, #tpu.memory_space<vmem_shared>> -> memref<80x128xf32, #tpu.memory_space<vmem_shared>>
      tpu.enqueue_dma source(%arg16 : memref<80x128xf32, #tpu.memory_space<vmem>>) target(%dma_start3A_249 : memref<80x128xf32, #tpu.memory_space<vmem_shared>>) target_semaphore(%run_scoped3A : memref<!tpu.dma_semaphore, #tpu.memory_space<semaphore_mem>>)
      %dma_wait3A_250 = arith.constant 0 : i32
      %dma_wait3A_251 = tpu.memref_slice %arg10[%multiple_of3A_55, %dma_wait3A_250] : memref<10240x128xf32, #tpu.memory_space<vmem_shared>> -> memref<80x128xf32, #tpu.memory_space<vmem_shared>>
      %dma_wait3A_252 = arith.constant 0 : i32
      %dma_wait3A_253 = tpu.memref_slice %arg10[%multiple_of3A_55, %dma_wait3A_252] : memref<10240x128xf32, #tpu.memory_space<vmem_shared>> -> memref<80x128xf32, #tpu.memory_space<vmem_shared>>
      tpu.wait_dma2 semaphore(%run_scoped3A : memref<!tpu.dma_semaphore, #tpu.memory_space<semaphore_mem>>) src(%arg16 : memref<80x128xf32, #tpu.memory_space<vmem>>) dst(%dma_wait3A_253 : memref<80x128xf32, #tpu.memory_space<vmem_shared>>)
      tpu.yield
    }) : () -> ()
    "tpu.region"() ({
      %run_scoped3A = tpu.sem_alloc : memref<!tpu.dma_semaphore, #tpu.memory_space<semaphore_mem>>
      %dma_start3A_246 = arith.constant 0 : i32
      %dma_start3A_247 = tpu.memref_slice %arg11[%multiple_of3A_55, %dma_start3A_246] : memref<10240x16xf32, #tpu.memory_space<vmem_shared>> -> memref<80x16xf32, #tpu.memory_space<vmem_shared>>
      %dma_start3A_248 = arith.constant 0 : i32
      %dma_start3A_249 = tpu.memref_slice %arg11[%multiple_of3A_55, %dma_start3A_248] : memref<10240x16xf32, #tpu.memory_space<vmem_shared>> -> memref<80x16xf32, #tpu.memory_space<vmem_shared>>
      tpu.enqueue_dma source(%arg18 : memref<80x16xf32, #tpu.memory_space<vmem>>) target(%dma_start3A_249 : memref<80x16xf32, #tpu.memory_space<vmem_shared>>) target_semaphore(%run_scoped3A : memref<!tpu.dma_semaphore, #tpu.memory_space<semaphore_mem>>)
      %dma_wait3A_250 = arith.constant 0 : i32
      %dma_wait3A_251 = tpu.memref_slice %arg11[%multiple_of3A_55, %dma_wait3A_250] : memref<10240x16xf32, #tpu.memory_space<vmem_shared>> -> memref<80x16xf32, #tpu.memory_space<vmem_shared>>
      %dma_wait3A_252 = arith.constant 0 : i32
      %dma_wait3A_253 = tpu.memref_slice %arg11[%multiple_of3A_55, %dma_wait3A_252] : memref<10240x16xf32, #tpu.memory_space<vmem_shared>> -> memref<80x16xf32, #tpu.memory_space<vmem_shared>>
      tpu.wait_dma2 semaphore(%run_scoped3A : memref<!tpu.dma_semaphore, #tpu.memory_space<semaphore_mem>>) src(%arg18 : memref<80x16xf32, #tpu.memory_space<vmem>>) dst(%dma_wait3A_253 : memref<80x16xf32, #tpu.memory_space<vmem_shared>>)
      tpu.yield
    }) : () -> ()
    %barrier3A = arith.constant 0 : index
    tpu.barrier barrier_id(%barrier3A)
    %mul3A_56 = arith.constant 10000 : i32
    %mul3A_57 = arith.muli %add3A, %mul3A_56 : i32
    %add3A_58 = arith.constant 0 : i32
    %add3A_59 = arith.addi %mul3A_57, %add3A_58 : i32
    %dma_start3A = tpu.memref_slice %arg4[%add3A_59] : memref<320000xi32, #tpu.memory_space<hbm>> -> memref<80xi32, #tpu.memory_space<hbm>>
    %dma_start3A_60 = tpu.memref_slice %arg4[%add3A_59] : memref<320000xi32, #tpu.memory_space<hbm>> -> memref<80xi32, #tpu.memory_space<hbm>>
    tpu.enqueue_dma source(%dma_start3A_60 : memref<80xi32, #tpu.memory_space<hbm>>) target(%arg12 : memref<80xi32, #tpu.memory_space<vmem>>) target_semaphore(%arg20 : memref<!tpu.dma_semaphore, #tpu.memory_space<semaphore_mem>>)
    %dma_start3A_61 = tpu.memref_slice %arg5[%add3A_59] : memref<320000xi32, #tpu.memory_space<hbm>> -> memref<80xi32, #tpu.memory_space<hbm>>
    %dma_start3A_62 = tpu.memref_slice %arg5[%add3A_59] : memref<320000xi32, #tpu.memory_space<hbm>> -> memref<80xi32, #tpu.memory_space<hbm>>
    tpu.enqueue_dma source(%dma_start3A_62 : memref<80xi32, #tpu.memory_space<hbm>>) target(%arg14 : memref<80xi32, #tpu.memory_space<vmem>>) target_semaphore(%arg20 : memref<!tpu.dma_semaphore, #tpu.memory_space<semaphore_mem>>)
    %add3A_63 = arith.constant 80 : i32
    %add3A_64 = arith.addi %mul3A_57, %add3A_63 : i32
    %dma_start3A_65 = tpu.memref_slice %arg4[%add3A_64] : memref<320000xi32, #tpu.memory_space<hbm>> -> memref<80xi32, #tpu.memory_space<hbm>>
    %dma_start3A_66 = tpu.memref_slice %arg4[%add3A_64] : memref<320000xi32, #tpu.memory_space<hbm>> -> memref<80xi32, #tpu.memory_space<hbm>>
    tpu.enqueue_dma source(%dma_start3A_66 : memref<80xi32, #tpu.memory_space<hbm>>) target(%arg13 : memref<80xi32, #tpu.memory_space<vmem>>) target_semaphore(%arg21 : memref<!tpu.dma_semaphore, #tpu.memory_space<semaphore_mem>>)
    %dma_start3A_67 = tpu.memref_slice %arg5[%add3A_64] : memref<320000xi32, #tpu.memory_space<hbm>> -> memref<80xi32, #tpu.memory_space<hbm>>
    %dma_start3A_68 = tpu.memref_slice %arg5[%add3A_64] : memref<320000xi32, #tpu.memory_space<hbm>> -> memref<80xi32, #tpu.memory_space<hbm>>
    tpu.enqueue_dma source(%dma_start3A_68 : memref<80xi32, #tpu.memory_space<hbm>>) target(%arg15 : memref<80xi32, #tpu.memory_space<vmem>>) target_semaphore(%arg21 : memref<!tpu.dma_semaphore, #tpu.memory_space<semaphore_mem>>)
    %scan3A = arith.constant 0 : i32
    %scan3A_69 = arith.constant 0 : i32
    %scan3A_70 = arith.constant 61 : i32
    %scan3A_71 = arith.addi %scan3A_69, %scan3A_70 : i32
    %scan3A_72 = arith.constant 1 : i32
    scf.for %scan3A_246 = %scan3A_69 to %scan3A_71 step %scan3A_72  : i32 {
      %mul3A_247 = arith.constant 2 : i32
      %mul3A_248 = arith.muli %scan3A_246, %mul3A_247 : i32
      %dma_wait3A_249 = arith.constant 0 : i32
      %dma_wait3A_250 = tpu.memref_slice %arg4[%dma_wait3A_249] : memref<320000xi32, #tpu.memory_space<hbm>> -> memref<80xi32, #tpu.memory_space<hbm>>
      %dma_wait3A_251 = arith.constant 0 : i32
      %dma_wait3A_252 = tpu.memref_slice %arg4[%dma_wait3A_251] : memref<320000xi32, #tpu.memory_space<hbm>> -> memref<80xi32, #tpu.memory_space<hbm>>
      tpu.wait_dma2 semaphore(%arg20 : memref<!tpu.dma_semaphore, #tpu.memory_space<semaphore_mem>>) src(%dma_wait3A_252 : memref<80xi32, #tpu.memory_space<hbm>>) dst(%arg12 : memref<80xi32, #tpu.memory_space<vmem>>)
      %dma_wait3A_253 = arith.constant 0 : i32
      %dma_wait3A_254 = tpu.memref_slice %arg5[%dma_wait3A_253] : memref<320000xi32, #tpu.memory_space<hbm>> -> memref<80xi32, #tpu.memory_space<hbm>>
      %dma_wait3A_255 = arith.constant 0 : i32
      %dma_wait3A_256 = tpu.memref_slice %arg5[%dma_wait3A_255] : memref<320000xi32, #tpu.memory_space<hbm>> -> memref<80xi32, #tpu.memory_space<hbm>>
      tpu.wait_dma2 semaphore(%arg20 : memref<!tpu.dma_semaphore, #tpu.memory_space<semaphore_mem>>) src(%dma_wait3A_256 : memref<80xi32, #tpu.memory_space<hbm>>) dst(%arg14 : memref<80xi32, #tpu.memory_space<vmem>>)
      %dma_start3A_257 = arith.constant 0 : i32
      %dma_start3A_258 = arith.constant 0 : i32
      %dma_start3A_259 = tpu.memref_slice %arg2[%dma_start3A_257, %dma_start3A_258] : memref<10000x128xf32, #tpu.memory_space<hbm>> -> memref<10000x128xf32, #tpu.memory_space<hbm>>
      tpu.enqueue_indirect_dma source(%dma_start3A_259 : memref<10000x128xf32, #tpu.memory_space<hbm>>) target(%arg16 : memref<80x128xf32, #tpu.memory_space<vmem>>) offsets(%arg12 : memref<80xi32, #tpu.memory_space<vmem>>) semaphore(%arg22 : memref<!tpu.dma_semaphore, #tpu.memory_space<semaphore_mem>>)
      %mul3A_260 = arith.constant 80 : i32
      %mul3A_261 = arith.muli %mul3A_248, %mul3A_260 : i32
      %add3A_262 = arith.addi %mul3A_57, %mul3A_261 : i32
      %dma_start3A_263 = arith.constant 0 : i32
      %dma_start3A_264 = tpu.memref_slice %arg3[%add3A_262, %dma_start3A_263] : memref<320000x16xf32, #tpu.memory_space<hbm>> -> memref<80x16xf32, #tpu.memory_space<hbm>>
      %dma_start3A_265 = arith.constant 0 : i32
      %dma_start3A_266 = tpu.memref_slice %arg3[%add3A_262, %dma_start3A_265] : memref<320000x16xf32, #tpu.memory_space<hbm>> -> memref<80x16xf32, #tpu.memory_space<hbm>>
      tpu.enqueue_dma source(%dma_start3A_266 : memref<80x16xf32, #tpu.memory_space<hbm>>) target(%arg18 : memref<80x16xf32, #tpu.memory_space<vmem>>) target_semaphore(%arg24 : memref<!tpu.dma_semaphore, #tpu.memory_space<semaphore_mem>>)
      %dma_wait3A_267 = arith.constant 0 : i32
      %dma_wait3A_268 = tpu.memref_slice %arg4[%dma_wait3A_267] : memref<320000xi32, #tpu.memory_space<hbm>> -> memref<80xi32, #tpu.memory_space<hbm>>
      %dma_wait3A_269 = arith.constant 0 : i32
      %dma_wait3A_270 = tpu.memref_slice %arg4[%dma_wait3A_269] : memref<320000xi32, #tpu.memory_space<hbm>> -> memref<80xi32, #tpu.memory_space<hbm>>
      tpu.wait_dma2 semaphore(%arg21 : memref<!tpu.dma_semaphore, #tpu.memory_space<semaphore_mem>>) src(%dma_wait3A_270 : memref<80xi32, #tpu.memory_space<hbm>>) dst(%arg13 : memref<80xi32, #tpu.memory_space<vmem>>)
      %dma_wait3A_271 = arith.constant 0 : i32
      %dma_wait3A_272 = tpu.memref_slice %arg5[%dma_wait3A_271] : memref<320000xi32, #tpu.memory_space<hbm>> -> memref<80xi32, #tpu.memory_space<hbm>>
      %dma_wait3A_273 = arith.constant 0 : i32
      %dma_wait3A_274 = tpu.memref_slice %arg5[%dma_wait3A_273] : memref<320000xi32, #tpu.memory_space<hbm>> -> memref<80xi32, #tpu.memory_space<hbm>>
      tpu.wait_dma2 semaphore(%arg21 : memref<!tpu.dma_semaphore, #tpu.memory_space<semaphore_mem>>) src(%dma_wait3A_274 : memref<80xi32, #tpu.memory_space<hbm>>) dst(%arg15 : memref<80xi32, #tpu.memory_space<vmem>>)
      %add3A_275 = arith.constant 1 : i32
      %add3A_276 = arith.addi %mul3A_248, %add3A_275 : i32
      %dma_start3A_277 = arith.constant 0 : i32
      %dma_start3A_278 = arith.constant 0 : i32
      %dma_start3A_279 = tpu.memref_slice %arg2[%dma_start3A_277, %dma_start3A_278] : memref<10000x128xf32, #tpu.memory_space<hbm>> -> memref<10000x128xf32, #tpu.memory_space<hbm>>
      tpu.enqueue_indirect_dma source(%dma_start3A_279 : memref<10000x128xf32, #tpu.memory_space<hbm>>) target(%arg17 : memref<80x128xf32, #tpu.memory_space<vmem>>) offsets(%arg13 : memref<80xi32, #tpu.memory_space<vmem>>) semaphore(%arg23 : memref<!tpu.dma_semaphore, #tpu.memory_space<semaphore_mem>>)
      %mul3A_280 = arith.constant 80 : i32
      %mul3A_281 = arith.muli %add3A_276, %mul3A_280 : i32
      %add3A_282 = arith.addi %mul3A_57, %mul3A_281 : i32
      %dma_start3A_283 = arith.constant 0 : i32
      %dma_start3A_284 = tpu.memref_slice %arg3[%add3A_282, %dma_start3A_283] : memref<320000x16xf32, #tpu.memory_space<hbm>> -> memref<80x16xf32, #tpu.memory_space<hbm>>
      %dma_start3A_285 = arith.constant 0 : i32
      %dma_start3A_286 = tpu.memref_slice %arg3[%add3A_282, %dma_start3A_285] : memref<320000x16xf32, #tpu.memory_space<hbm>> -> memref<80x16xf32, #tpu.memory_space<hbm>>
      tpu.enqueue_dma source(%dma_start3A_286 : memref<80x16xf32, #tpu.memory_space<hbm>>) target(%arg19 : memref<80x16xf32, #tpu.memory_space<vmem>>) target_semaphore(%arg25 : memref<!tpu.dma_semaphore, #tpu.memory_space<semaphore_mem>>)
      %dma_wait3A_287 = arith.constant 0 : i32
      %dma_wait3A_288 = arith.constant 0 : i32
      %dma_wait3A_289 = tpu.memref_slice %arg2[%dma_wait3A_287, %dma_wait3A_288] : memref<10000x128xf32, #tpu.memory_space<hbm>> -> memref<10000x128xf32, #tpu.memory_space<hbm>>
      tpu.wait_indirect_dma semaphore(%arg22 : memref<!tpu.dma_semaphore, #tpu.memory_space<semaphore_mem>>) src(%dma_wait3A_289 : memref<10000x128xf32, #tpu.memory_space<hbm>>) dst(%arg16 : memref<80x128xf32, #tpu.memory_space<vmem>>)
      %mul3A_290 = arith.constant 80 : i32
      %mul3A_291 = arith.muli %mul3A_248, %mul3A_290 : i32
      %add3A_292 = arith.addi %mul3A_57, %mul3A_291 : i32
      %dma_wait3A_293 = arith.constant 0 : i32
      %dma_wait3A_294 = tpu.memref_slice %arg3[%add3A_292, %dma_wait3A_293] : memref<320000x16xf32, #tpu.memory_space<hbm>> -> memref<80x16xf32, #tpu.memory_space<hbm>>
      %dma_wait3A_295 = arith.constant 0 : i32
      %dma_wait3A_296 = tpu.memref_slice %arg3[%add3A_292, %dma_wait3A_295] : memref<320000x16xf32, #tpu.memory_space<hbm>> -> memref<80x16xf32, #tpu.memory_space<hbm>>
      tpu.wait_dma2 semaphore(%arg24 : memref<!tpu.dma_semaphore, #tpu.memory_space<semaphore_mem>>) src(%dma_wait3A_296 : memref<80x16xf32, #tpu.memory_space<hbm>>) dst(%arg18 : memref<80x16xf32, #tpu.memory_space<vmem>>)
      "tpu.region"() ({
        %run_scoped3A = tpu.sem_alloc : memref<!tpu.dma_semaphore, #tpu.memory_space<semaphore_mem>>
        %dma_start3A_327 = arith.constant 0 : i32
        %dma_start3A_328 = arith.constant 0 : i32
        %dma_start3A_329 = tpu.memref_slice %arg10[%dma_start3A_327, %dma_start3A_328] : memref<10240x128xf32, #tpu.memory_space<vmem_shared>> -> memref<10240x128xf32, #tpu.memory_space<vmem_shared>>
        tpu.enqueue_indirect_dma source(%arg16 : memref<80x128xf32, #tpu.memory_space<vmem>>) target(%dma_start3A_329 : memref<10240x128xf32, #tpu.memory_space<vmem_shared>>) offsets(%arg14 : memref<80xi32, #tpu.memory_space<vmem>>) semaphore(%run_scoped3A : memref<!tpu.dma_semaphore, #tpu.memory_space<semaphore_mem>>) {add = true}
        %dma_wait3A_330 = arith.constant 0 : i32
        %dma_wait3A_331 = arith.constant 0 : i32
        %dma_wait3A_332 = tpu.memref_slice %arg10[%dma_wait3A_330, %dma_wait3A_331] : memref<10240x128xf32, #tpu.memory_space<vmem_shared>> -> memref<10240x128xf32, #tpu.memory_space<vmem_shared>>
        tpu.wait_indirect_dma semaphore(%run_scoped3A : memref<!tpu.dma_semaphore, #tpu.memory_space<semaphore_mem>>) src(%arg16 : memref<80x128xf32, #tpu.memory_space<vmem>>) dst(%dma_wait3A_332 : memref<10240x128xf32, #tpu.memory_space<vmem_shared>>)
        tpu.yield
      }) : () -> ()
      "tpu.region"() ({
        %run_scoped3A = tpu.sem_alloc : memref<!tpu.dma_semaphore, #tpu.memory_space<semaphore_mem>>
        %dma_start3A_327 = arith.constant 0 : i32
        %dma_start3A_328 = arith.constant 0 : i32
        %dma_start3A_329 = tpu.memref_slice %arg11[%dma_start3A_327, %dma_start3A_328] : memref<10240x16xf32, #tpu.memory_space<vmem_shared>> -> memref<10240x16xf32, #tpu.memory_space<vmem_shared>>
        tpu.enqueue_indirect_dma source(%arg18 : memref<80x16xf32, #tpu.memory_space<vmem>>) target(%dma_start3A_329 : memref<10240x16xf32, #tpu.memory_space<vmem_shared>>) offsets(%arg14 : memref<80xi32, #tpu.memory_space<vmem>>) semaphore(%run_scoped3A : memref<!tpu.dma_semaphore, #tpu.memory_space<semaphore_mem>>) {add = true}
        %dma_wait3A_330 = arith.constant 0 : i32
        %dma_wait3A_331 = arith.constant 0 : i32
        %dma_wait3A_332 = tpu.memref_slice %arg11[%dma_wait3A_330, %dma_wait3A_331] : memref<10240x16xf32, #tpu.memory_space<vmem_shared>> -> memref<10240x16xf32, #tpu.memory_space<vmem_shared>>
        tpu.wait_indirect_dma semaphore(%run_scoped3A : memref<!tpu.dma_semaphore, #tpu.memory_space<semaphore_mem>>) src(%arg18 : memref<80x16xf32, #tpu.memory_space<vmem>>) dst(%dma_wait3A_332 : memref<10240x16xf32, #tpu.memory_space<vmem_shared>>)
        tpu.yield
      }) : () -> ()
      %add3A_297 = arith.constant 2 : i32
      %add3A_298 = arith.addi %mul3A_248, %add3A_297 : i32
      %mul3A_299 = arith.constant 80 : i32
      %mul3A_300 = arith.muli %add3A_298, %mul3A_299 : i32
      %add3A_301 = arith.addi %mul3A_57, %mul3A_300 : i32
      %dma_start3A_302 = tpu.memref_slice %arg4[%add3A_301] : memref<320000xi32, #tpu.memory_space<hbm>> -> memref<80xi32, #tpu.memory_space<hbm>>
      %dma_start3A_303 = tpu.memref_slice %arg4[%add3A_301] : memref<320000xi32, #tpu.memory_space<hbm>> -> memref<80xi32, #tpu.memory_space<hbm>>
      tpu.enqueue_dma source(%dma_start3A_303 : memref<80xi32, #tpu.memory_space<hbm>>) target(%arg12 : memref<80xi32, #tpu.memory_space<vmem>>) target_semaphore(%arg20 : memref<!tpu.dma_semaphore, #tpu.memory_space<semaphore_mem>>)
      %dma_start3A_304 = tpu.memref_slice %arg5[%add3A_301] : memref<320000xi32, #tpu.memory_space<hbm>> -> memref<80xi32, #tpu.memory_space<hbm>>
      %dma_start3A_305 = tpu.memref_slice %arg5[%add3A_301] : memref<320000xi32, #tpu.memory_space<hbm>> -> memref<80xi32, #tpu.memory_space<hbm>>
      tpu.enqueue_dma source(%dma_start3A_305 : memref<80xi32, #tpu.memory_space<hbm>>) target(%arg14 : memref<80xi32, #tpu.memory_space<vmem>>) target_semaphore(%arg20 : memref<!tpu.dma_semaphore, #tpu.memory_space<semaphore_mem>>)
      %add3A_306 = arith.constant 1 : i32
      %add3A_307 = arith.addi %mul3A_248, %add3A_306 : i32
      %dma_wait3A_308 = arith.constant 0 : i32
      %dma_wait3A_309 = arith.constant 0 : i32
      %dma_wait3A_310 = tpu.memref_slice %arg2[%dma_wait3A_308, %dma_wait3A_309] : memref<10000x128xf32, #tpu.memory_space<hbm>> -> memref<10000x128xf32, #tpu.memory_space<hbm>>
      tpu.wait_indirect_dma semaphore(%arg23 : memref<!tpu.dma_semaphore, #tpu.memory_space<semaphore_mem>>) src(%dma_wait3A_310 : memref<10000x128xf32, #tpu.memory_space<hbm>>) dst(%arg17 : memref<80x128xf32, #tpu.memory_space<vmem>>)
      %mul3A_311 = arith.constant 80 : i32
      %mul3A_312 = arith.muli %add3A_307, %mul3A_311 : i32
      %add3A_313 = arith.addi %mul3A_57, %mul3A_312 : i32
      %dma_wait3A_314 = arith.constant 0 : i32
      %dma_wait3A_315 = tpu.memref_slice %arg3[%add3A_313, %dma_wait3A_314] : memref<320000x16xf32, #tpu.memory_space<hbm>> -> memref<80x16xf32, #tpu.memory_space<hbm>>
      %dma_wait3A_316 = arith.constant 0 : i32
      %dma_wait3A_317 = tpu.memref_slice %arg3[%add3A_313, %dma_wait3A_316] : memref<320000x16xf32, #tpu.memory_space<hbm>> -> memref<80x16xf32, #tpu.memory_space<hbm>>
      tpu.wait_dma2 semaphore(%arg25 : memref<!tpu.dma_semaphore, #tpu.memory_space<semaphore_mem>>) src(%dma_wait3A_317 : memref<80x16xf32, #tpu.memory_space<hbm>>) dst(%arg19 : memref<80x16xf32, #tpu.memory_space<vmem>>)
      "tpu.region"() ({
        %run_scoped3A = tpu.sem_alloc : memref<!tpu.dma_semaphore, #tpu.memory_space<semaphore_mem>>
        %dma_start3A_327 = arith.constant 0 : i32
        %dma_start3A_328 = arith.constant 0 : i32
        %dma_start3A_329 = tpu.memref_slice %arg10[%dma_start3A_327, %dma_start3A_328] : memref<10240x128xf32, #tpu.memory_space<vmem_shared>> -> memref<10240x128xf32, #tpu.memory_space<vmem_shared>>
        tpu.enqueue_indirect_dma source(%arg17 : memref<80x128xf32, #tpu.memory_space<vmem>>) target(%dma_start3A_329 : memref<10240x128xf32, #tpu.memory_space<vmem_shared>>) offsets(%arg15 : memref<80xi32, #tpu.memory_space<vmem>>) semaphore(%run_scoped3A : memref<!tpu.dma_semaphore, #tpu.memory_space<semaphore_mem>>) {add = true}
        %dma_wait3A_330 = arith.constant 0 : i32
        %dma_wait3A_331 = arith.constant 0 : i32
        %dma_wait3A_332 = tpu.memref_slice %arg10[%dma_wait3A_330, %dma_wait3A_331] : memref<10240x128xf32, #tpu.memory_space<vmem_shared>> -> memref<10240x128xf32, #tpu.memory_space<vmem_shared>>
        tpu.wait_indirect_dma semaphore(%run_scoped3A : memref<!tpu.dma_semaphore, #tpu.memory_space<semaphore_mem>>) src(%arg17 : memref<80x128xf32, #tpu.memory_space<vmem>>) dst(%dma_wait3A_332 : memref<10240x128xf32, #tpu.memory_space<vmem_shared>>)
        tpu.yield
      }) : () -> ()
      "tpu.region"() ({
        %run_scoped3A = tpu.sem_alloc : memref<!tpu.dma_semaphore, #tpu.memory_space<semaphore_mem>>
        %dma_start3A_327 = arith.constant 0 : i32
        %dma_start3A_328 = arith.constant 0 : i32
        %dma_start3A_329 = tpu.memref_slice %arg11[%dma_start3A_327, %dma_start3A_328] : memref<10240x16xf32, #tpu.memory_space<vmem_shared>> -> memref<10240x16xf32, #tpu.memory_space<vmem_shared>>
        tpu.enqueue_indirect_dma source(%arg19 : memref<80x16xf32, #tpu.memory_space<vmem>>) target(%dma_start3A_329 : memref<10240x16xf32, #tpu.memory_space<vmem_shared>>) offsets(%arg15 : memref<80xi32, #tpu.memory_space<vmem>>) semaphore(%run_scoped3A : memref<!tpu.dma_semaphore, #tpu.memory_space<semaphore_mem>>) {add = true}
        %dma_wait3A_330 = arith.constant 0 : i32
        %dma_wait3A_331 = arith.constant 0 : i32
        %dma_wait3A_332 = tpu.memref_slice %arg11[%dma_wait3A_330, %dma_wait3A_331] : memref<10240x16xf32, #tpu.memory_space<vmem_shared>> -> memref<10240x16xf32, #tpu.memory_space<vmem_shared>>
        tpu.wait_indirect_dma semaphore(%run_scoped3A : memref<!tpu.dma_semaphore, #tpu.memory_space<semaphore_mem>>) src(%arg19 : memref<80x16xf32, #tpu.memory_space<vmem>>) dst(%dma_wait3A_332 : memref<10240x16xf32, #tpu.memory_space<vmem_shared>>)
        tpu.yield
      }) : () -> ()
      %add3A_318 = arith.constant 3 : i32
      %add3A_319 = arith.addi %mul3A_248, %add3A_318 : i32
      %mul3A_320 = arith.constant 80 : i32
      %mul3A_321 = arith.muli %add3A_319, %mul3A_320 : i32
      %add3A_322 = arith.addi %mul3A_57, %mul3A_321 : i32
      %dma_start3A_323 = tpu.memref_slice %arg4[%add3A_322] : memref<320000xi32, #tpu.memory_space<hbm>> -> memref<80xi32, #tpu.memory_space<hbm>>
      %dma_start3A_324 = tpu.memref_slice %arg4[%add3A_322] : memref<320000xi32, #tpu.memory_space<hbm>> -> memref<80xi32, #tpu.memory_space<hbm>>
      tpu.enqueue_dma source(%dma_start3A_324 : memref<80xi32, #tpu.memory_space<hbm>>) target(%arg13 : memref<80xi32, #tpu.memory_space<vmem>>) target_semaphore(%arg21 : memref<!tpu.dma_semaphore, #tpu.memory_space<semaphore_mem>>)
      %dma_start3A_325 = tpu.memref_slice %arg5[%add3A_322] : memref<320000xi32, #tpu.memory_space<hbm>> -> memref<80xi32, #tpu.memory_space<hbm>>
      %dma_start3A_326 = tpu.memref_slice %arg5[%add3A_322] : memref<320000xi32, #tpu.memory_space<hbm>> -> memref<80xi32, #tpu.memory_space<hbm>>
      tpu.enqueue_dma source(%dma_start3A_326 : memref<80xi32, #tpu.memory_space<hbm>>) target(%arg15 : memref<80xi32, #tpu.memory_space<vmem>>) target_semaphore(%arg21 : memref<!tpu.dma_semaphore, #tpu.memory_space<semaphore_mem>>)
    }
    %scan3A_73 = arith.constant 61 : i32
    %dma_wait3A = arith.constant 0 : i32
    %dma_wait3A_74 = tpu.memref_slice %arg4[%dma_wait3A] : memref<320000xi32, #tpu.memory_space<hbm>> -> memref<80xi32, #tpu.memory_space<hbm>>
    %dma_wait3A_75 = arith.constant 0 : i32
    %dma_wait3A_76 = tpu.memref_slice %arg4[%dma_wait3A_75] : memref<320000xi32, #tpu.memory_space<hbm>> -> memref<80xi32, #tpu.memory_space<hbm>>
    tpu.wait_dma2 semaphore(%arg20 : memref<!tpu.dma_semaphore, #tpu.memory_space<semaphore_mem>>) src(%dma_wait3A_76 : memref<80xi32, #tpu.memory_space<hbm>>) dst(%arg12 : memref<80xi32, #tpu.memory_space<vmem>>)
    %dma_wait3A_77 = arith.constant 0 : i32
    %dma_wait3A_78 = tpu.memref_slice %arg5[%dma_wait3A_77] : memref<320000xi32, #tpu.memory_space<hbm>> -> memref<80xi32, #tpu.memory_space<hbm>>
    %dma_wait3A_79 = arith.constant 0 : i32
    %dma_wait3A_80 = tpu.memref_slice %arg5[%dma_wait3A_79] : memref<320000xi32, #tpu.memory_space<hbm>> -> memref<80xi32, #tpu.memory_space<hbm>>
    tpu.wait_dma2 semaphore(%arg20 : memref<!tpu.dma_semaphore, #tpu.memory_space<semaphore_mem>>) src(%dma_wait3A_80 : memref<80xi32, #tpu.memory_space<hbm>>) dst(%arg14 : memref<80xi32, #tpu.memory_space<vmem>>)
    %dma_start3A_81 = arith.constant 0 : i32
    %dma_start3A_82 = arith.constant 0 : i32
    %dma_start3A_83 = tpu.memref_slice %arg2[%dma_start3A_81, %dma_start3A_82] : memref<10000x128xf32, #tpu.memory_space<hbm>> -> memref<10000x128xf32, #tpu.memory_space<hbm>>
    tpu.enqueue_indirect_dma source(%dma_start3A_83 : memref<10000x128xf32, #tpu.memory_space<hbm>>) target(%arg16 : memref<80x128xf32, #tpu.memory_space<vmem>>) offsets(%arg12 : memref<80xi32, #tpu.memory_space<vmem>>) semaphore(%arg22 : memref<!tpu.dma_semaphore, #tpu.memory_space<semaphore_mem>>)
    %add3A_84 = arith.constant 9760 : i32
    %add3A_85 = arith.addi %mul3A_57, %add3A_84 : i32
    %dma_start3A_86 = arith.constant 0 : i32
    %dma_start3A_87 = tpu.memref_slice %arg3[%add3A_85, %dma_start3A_86] : memref<320000x16xf32, #tpu.memory_space<hbm>> -> memref<80x16xf32, #tpu.memory_space<hbm>>
    %dma_start3A_88 = arith.constant 0 : i32
    %dma_start3A_89 = tpu.memref_slice %arg3[%add3A_85, %dma_start3A_88] : memref<320000x16xf32, #tpu.memory_space<hbm>> -> memref<80x16xf32, #tpu.memory_space<hbm>>
    tpu.enqueue_dma source(%dma_start3A_89 : memref<80x16xf32, #tpu.memory_space<hbm>>) target(%arg18 : memref<80x16xf32, #tpu.memory_space<vmem>>) target_semaphore(%arg24 : memref<!tpu.dma_semaphore, #tpu.memory_space<semaphore_mem>>)
    %dma_wait3A_90 = arith.constant 0 : i32
    %dma_wait3A_91 = tpu.memref_slice %arg4[%dma_wait3A_90] : memref<320000xi32, #tpu.memory_space<hbm>> -> memref<80xi32, #tpu.memory_space<hbm>>
    %dma_wait3A_92 = arith.constant 0 : i32
    %dma_wait3A_93 = tpu.memref_slice %arg4[%dma_wait3A_92] : memref<320000xi32, #tpu.memory_space<hbm>> -> memref<80xi32, #tpu.memory_space<hbm>>
    tpu.wait_dma2 semaphore(%arg21 : memref<!tpu.dma_semaphore, #tpu.memory_space<semaphore_mem>>) src(%dma_wait3A_93 : memref<80xi32, #tpu.memory_space<hbm>>) dst(%arg13 : memref<80xi32, #tpu.memory_space<vmem>>)
    %dma_wait3A_94 = arith.constant 0 : i32
    %dma_wait3A_95 = tpu.memref_slice %arg5[%dma_wait3A_94] : memref<320000xi32, #tpu.memory_space<hbm>> -> memref<80xi32, #tpu.memory_space<hbm>>
    %dma_wait3A_96 = arith.constant 0 : i32
    %dma_wait3A_97 = tpu.memref_slice %arg5[%dma_wait3A_96] : memref<320000xi32, #tpu.memory_space<hbm>> -> memref<80xi32, #tpu.memory_space<hbm>>
    tpu.wait_dma2 semaphore(%arg21 : memref<!tpu.dma_semaphore, #tpu.memory_space<semaphore_mem>>) src(%dma_wait3A_97 : memref<80xi32, #tpu.memory_space<hbm>>) dst(%arg15 : memref<80xi32, #tpu.memory_space<vmem>>)
    %dma_start3A_98 = arith.constant 0 : i32
    %dma_start3A_99 = arith.constant 0 : i32
    %dma_start3A_100 = tpu.memref_slice %arg2[%dma_start3A_98, %dma_start3A_99] : memref<10000x128xf32, #tpu.memory_space<hbm>> -> memref<10000x128xf32, #tpu.memory_space<hbm>>
    tpu.enqueue_indirect_dma source(%dma_start3A_100 : memref<10000x128xf32, #tpu.memory_space<hbm>>) target(%arg17 : memref<80x128xf32, #tpu.memory_space<vmem>>) offsets(%arg13 : memref<80xi32, #tpu.memory_space<vmem>>) semaphore(%arg23 : memref<!tpu.dma_semaphore, #tpu.memory_space<semaphore_mem>>)
    %add3A_101 = arith.constant 9840 : i32
    %add3A_102 = arith.addi %mul3A_57, %add3A_101 : i32
    %dma_start3A_103 = arith.constant 0 : i32
    %dma_start3A_104 = tpu.memref_slice %arg3[%add3A_102, %dma_start3A_103] : memref<320000x16xf32, #tpu.memory_space<hbm>> -> memref<80x16xf32, #tpu.memory_space<hbm>>
    %dma_start3A_105 = arith.constant 0 : i32
    %dma_start3A_106 = tpu.memref_slice %arg3[%add3A_102, %dma_start3A_105] : memref<320000x16xf32, #tpu.memory_space<hbm>> -> memref<80x16xf32, #tpu.memory_space<hbm>>
    tpu.enqueue_dma source(%dma_start3A_106 : memref<80x16xf32, #tpu.memory_space<hbm>>) target(%arg19 : memref<80x16xf32, #tpu.memory_space<vmem>>) target_semaphore(%arg25 : memref<!tpu.dma_semaphore, #tpu.memory_space<semaphore_mem>>)
    %dma_wait3A_107 = arith.constant 0 : i32
    %dma_wait3A_108 = arith.constant 0 : i32
    %dma_wait3A_109 = tpu.memref_slice %arg2[%dma_wait3A_107, %dma_wait3A_108] : memref<10000x128xf32, #tpu.memory_space<hbm>> -> memref<10000x128xf32, #tpu.memory_space<hbm>>
    tpu.wait_indirect_dma semaphore(%arg22 : memref<!tpu.dma_semaphore, #tpu.memory_space<semaphore_mem>>) src(%dma_wait3A_109 : memref<10000x128xf32, #tpu.memory_space<hbm>>) dst(%arg16 : memref<80x128xf32, #tpu.memory_space<vmem>>)
    %add3A_110 = arith.constant 9760 : i32
    %add3A_111 = arith.addi %mul3A_57, %add3A_110 : i32
    %dma_wait3A_112 = arith.constant 0 : i32
    %dma_wait3A_113 = tpu.memref_slice %arg3[%add3A_111, %dma_wait3A_112] : memref<320000x16xf32, #tpu.memory_space<hbm>> -> memref<80x16xf32, #tpu.memory_space<hbm>>
    %dma_wait3A_114 = arith.constant 0 : i32
    %dma_wait3A_115 = tpu.memref_slice %arg3[%add3A_111, %dma_wait3A_114] : memref<320000x16xf32, #tpu.memory_space<hbm>> -> memref<80x16xf32, #tpu.memory_space<hbm>>
    tpu.wait_dma2 semaphore(%arg24 : memref<!tpu.dma_semaphore, #tpu.memory_space<semaphore_mem>>) src(%dma_wait3A_115 : memref<80x16xf32, #tpu.memory_space<hbm>>) dst(%arg18 : memref<80x16xf32, #tpu.memory_space<vmem>>)
    "tpu.region"() ({
      %run_scoped3A = tpu.sem_alloc : memref<!tpu.dma_semaphore, #tpu.memory_space<semaphore_mem>>
      %dma_start3A_246 = arith.constant 0 : i32
      %dma_start3A_247 = arith.constant 0 : i32
      %dma_start3A_248 = tpu.memref_slice %arg10[%dma_start3A_246, %dma_start3A_247] : memref<10240x128xf32, #tpu.memory_space<vmem_shared>> -> memref<10240x128xf32, #tpu.memory_space<vmem_shared>>
      tpu.enqueue_indirect_dma source(%arg16 : memref<80x128xf32, #tpu.memory_space<vmem>>) target(%dma_start3A_248 : memref<10240x128xf32, #tpu.memory_space<vmem_shared>>) offsets(%arg14 : memref<80xi32, #tpu.memory_space<vmem>>) semaphore(%run_scoped3A : memref<!tpu.dma_semaphore, #tpu.memory_space<semaphore_mem>>) {add = true}
      %dma_wait3A_249 = arith.constant 0 : i32
      %dma_wait3A_250 = arith.constant 0 : i32
      %dma_wait3A_251 = tpu.memref_slice %arg10[%dma_wait3A_249, %dma_wait3A_250] : memref<10240x128xf32, #tpu.memory_space<vmem_shared>> -> memref<10240x128xf32, #tpu.memory_space<vmem_shared>>
      tpu.wait_indirect_dma semaphore(%run_scoped3A : memref<!tpu.dma_semaphore, #tpu.memory_space<semaphore_mem>>) src(%arg16 : memref<80x128xf32, #tpu.memory_space<vmem>>) dst(%dma_wait3A_251 : memref<10240x128xf32, #tpu.memory_space<vmem_shared>>)
      tpu.yield
    }) : () -> ()
    "tpu.region"() ({
      %run_scoped3A = tpu.sem_alloc : memref<!tpu.dma_semaphore, #tpu.memory_space<semaphore_mem>>
      %dma_start3A_246 = arith.constant 0 : i32
      %dma_start3A_247 = arith.constant 0 : i32
      %dma_start3A_248 = tpu.memref_slice %arg11[%dma_start3A_246, %dma_start3A_247] : memref<10240x16xf32, #tpu.memory_space<vmem_shared>> -> memref<10240x16xf32, #tpu.memory_space<vmem_shared>>
      tpu.enqueue_indirect_dma source(%arg18 : memref<80x16xf32, #tpu.memory_space<vmem>>) target(%dma_start3A_248 : memref<10240x16xf32, #tpu.memory_space<vmem_shared>>) offsets(%arg14 : memref<80xi32, #tpu.memory_space<vmem>>) semaphore(%run_scoped3A : memref<!tpu.dma_semaphore, #tpu.memory_space<semaphore_mem>>) {add = true}
      %dma_wait3A_249 = arith.constant 0 : i32
      %dma_wait3A_250 = arith.constant 0 : i32
      %dma_wait3A_251 = tpu.memref_slice %arg11[%dma_wait3A_249, %dma_wait3A_250] : memref<10240x16xf32, #tpu.memory_space<vmem_shared>> -> memref<10240x16xf32, #tpu.memory_space<vmem_shared>>
      tpu.wait_indirect_dma semaphore(%run_scoped3A : memref<!tpu.dma_semaphore, #tpu.memory_space<semaphore_mem>>) src(%arg18 : memref<80x16xf32, #tpu.memory_space<vmem>>) dst(%dma_wait3A_251 : memref<10240x16xf32, #tpu.memory_space<vmem_shared>>)
      tpu.yield
    }) : () -> ()
    %add3A_116 = arith.constant 9920 : i32
    %add3A_117 = arith.addi %mul3A_57, %add3A_116 : i32
    %dma_start3A_118 = tpu.memref_slice %arg4[%add3A_117] : memref<320000xi32, #tpu.memory_space<hbm>> -> memref<80xi32, #tpu.memory_space<hbm>>
    %dma_start3A_119 = tpu.memref_slice %arg4[%add3A_117] : memref<320000xi32, #tpu.memory_space<hbm>> -> memref<80xi32, #tpu.memory_space<hbm>>
    tpu.enqueue_dma source(%dma_start3A_119 : memref<80xi32, #tpu.memory_space<hbm>>) target(%arg12 : memref<80xi32, #tpu.memory_space<vmem>>) target_semaphore(%arg20 : memref<!tpu.dma_semaphore, #tpu.memory_space<semaphore_mem>>)
    %dma_start3A_120 = tpu.memref_slice %arg5[%add3A_117] : memref<320000xi32, #tpu.memory_space<hbm>> -> memref<80xi32, #tpu.memory_space<hbm>>
    %dma_start3A_121 = tpu.memref_slice %arg5[%add3A_117] : memref<320000xi32, #tpu.memory_space<hbm>> -> memref<80xi32, #tpu.memory_space<hbm>>
    tpu.enqueue_dma source(%dma_start3A_121 : memref<80xi32, #tpu.memory_space<hbm>>) target(%arg14 : memref<80xi32, #tpu.memory_space<vmem>>) target_semaphore(%arg20 : memref<!tpu.dma_semaphore, #tpu.memory_space<semaphore_mem>>)
    %dma_wait3A_122 = arith.constant 0 : i32
    %dma_wait3A_123 = arith.constant 0 : i32
    %dma_wait3A_124 = tpu.memref_slice %arg2[%dma_wait3A_122, %dma_wait3A_123] : memref<10000x128xf32, #tpu.memory_space<hbm>> -> memref<10000x128xf32, #tpu.memory_space<hbm>>
    tpu.wait_indirect_dma semaphore(%arg23 : memref<!tpu.dma_semaphore, #tpu.memory_space<semaphore_mem>>) src(%dma_wait3A_124 : memref<10000x128xf32, #tpu.memory_space<hbm>>) dst(%arg17 : memref<80x128xf32, #tpu.memory_space<vmem>>)
    %add3A_125 = arith.constant 9840 : i32
    %add3A_126 = arith.addi %mul3A_57, %add3A_125 : i32
    %dma_wait3A_127 = arith.constant 0 : i32
    %dma_wait3A_128 = tpu.memref_slice %arg3[%add3A_126, %dma_wait3A_127] : memref<320000x16xf32, #tpu.memory_space<hbm>> -> memref<80x16xf32, #tpu.memory_space<hbm>>
    %dma_wait3A_129 = arith.constant 0 : i32
    %dma_wait3A_130 = tpu.memref_slice %arg3[%add3A_126, %dma_wait3A_129] : memref<320000x16xf32, #tpu.memory_space<hbm>> -> memref<80x16xf32, #tpu.memory_space<hbm>>
    tpu.wait_dma2 semaphore(%arg25 : memref<!tpu.dma_semaphore, #tpu.memory_space<semaphore_mem>>) src(%dma_wait3A_130 : memref<80x16xf32, #tpu.memory_space<hbm>>) dst(%arg19 : memref<80x16xf32, #tpu.memory_space<vmem>>)
    "tpu.region"() ({
      %run_scoped3A = tpu.sem_alloc : memref<!tpu.dma_semaphore, #tpu.memory_space<semaphore_mem>>
      %dma_start3A_246 = arith.constant 0 : i32
      %dma_start3A_247 = arith.constant 0 : i32
      %dma_start3A_248 = tpu.memref_slice %arg10[%dma_start3A_246, %dma_start3A_247] : memref<10240x128xf32, #tpu.memory_space<vmem_shared>> -> memref<10240x128xf32, #tpu.memory_space<vmem_shared>>
      tpu.enqueue_indirect_dma source(%arg17 : memref<80x128xf32, #tpu.memory_space<vmem>>) target(%dma_start3A_248 : memref<10240x128xf32, #tpu.memory_space<vmem_shared>>) offsets(%arg15 : memref<80xi32, #tpu.memory_space<vmem>>) semaphore(%run_scoped3A : memref<!tpu.dma_semaphore, #tpu.memory_space<semaphore_mem>>) {add = true}
      %dma_wait3A_249 = arith.constant 0 : i32
      %dma_wait3A_250 = arith.constant 0 : i32
      %dma_wait3A_251 = tpu.memref_slice %arg10[%dma_wait3A_249, %dma_wait3A_250] : memref<10240x128xf32, #tpu.memory_space<vmem_shared>> -> memref<10240x128xf32, #tpu.memory_space<vmem_shared>>
      tpu.wait_indirect_dma semaphore(%run_scoped3A : memref<!tpu.dma_semaphore, #tpu.memory_space<semaphore_mem>>) src(%arg17 : memref<80x128xf32, #tpu.memory_space<vmem>>) dst(%dma_wait3A_251 : memref<10240x128xf32, #tpu.memory_space<vmem_shared>>)
      tpu.yield
    }) : () -> ()
    "tpu.region"() ({
      %run_scoped3A = tpu.sem_alloc : memref<!tpu.dma_semaphore, #tpu.memory_space<semaphore_mem>>
      %dma_start3A_246 = arith.constant 0 : i32
      %dma_start3A_247 = arith.constant 0 : i32
      %dma_start3A_248 = tpu.memref_slice %arg11[%dma_start3A_246, %dma_start3A_247] : memref<10240x16xf32, #tpu.memory_space<vmem_shared>> -> memref<10240x16xf32, #tpu.memory_space<vmem_shared>>
      tpu.enqueue_indirect_dma source(%arg19 : memref<80x16xf32, #tpu.memory_space<vmem>>) target(%dma_start3A_248 : memref<10240x16xf32, #tpu.memory_space<vmem_shared>>) offsets(%arg15 : memref<80xi32, #tpu.memory_space<vmem>>) semaphore(%run_scoped3A : memref<!tpu.dma_semaphore, #tpu.memory_space<semaphore_mem>>) {add = true}
      %dma_wait3A_249 = arith.constant 0 : i32
      %dma_wait3A_250 = arith.constant 0 : i32
      %dma_wait3A_251 = tpu.memref_slice %arg11[%dma_wait3A_249, %dma_wait3A_250] : memref<10240x16xf32, #tpu.memory_space<vmem_shared>> -> memref<10240x16xf32, #tpu.memory_space<vmem_shared>>
      tpu.wait_indirect_dma semaphore(%run_scoped3A : memref<!tpu.dma_semaphore, #tpu.memory_space<semaphore_mem>>) src(%arg19 : memref<80x16xf32, #tpu.memory_space<vmem>>) dst(%dma_wait3A_251 : memref<10240x16xf32, #tpu.memory_space<vmem_shared>>)
      tpu.yield
    }) : () -> ()
    %dma_wait3A_131 = arith.constant 0 : i32
    %dma_wait3A_132 = tpu.memref_slice %arg4[%dma_wait3A_131] : memref<320000xi32, #tpu.memory_space<hbm>> -> memref<80xi32, #tpu.memory_space<hbm>>
    %dma_wait3A_133 = arith.constant 0 : i32
    %dma_wait3A_134 = tpu.memref_slice %arg4[%dma_wait3A_133] : memref<320000xi32, #tpu.memory_space<hbm>> -> memref<80xi32, #tpu.memory_space<hbm>>
    tpu.wait_dma2 semaphore(%arg20 : memref<!tpu.dma_semaphore, #tpu.memory_space<semaphore_mem>>) src(%dma_wait3A_134 : memref<80xi32, #tpu.memory_space<hbm>>) dst(%arg12 : memref<80xi32, #tpu.memory_space<vmem>>)
    %dma_wait3A_135 = arith.constant 0 : i32
    %dma_wait3A_136 = tpu.memref_slice %arg5[%dma_wait3A_135] : memref<320000xi32, #tpu.memory_space<hbm>> -> memref<80xi32, #tpu.memory_space<hbm>>
    %dma_wait3A_137 = arith.constant 0 : i32
    %dma_wait3A_138 = tpu.memref_slice %arg5[%dma_wait3A_137] : memref<320000xi32, #tpu.memory_space<hbm>> -> memref<80xi32, #tpu.memory_space<hbm>>
    tpu.wait_dma2 semaphore(%arg20 : memref<!tpu.dma_semaphore, #tpu.memory_space<semaphore_mem>>) src(%dma_wait3A_138 : memref<80xi32, #tpu.memory_space<hbm>>) dst(%arg14 : memref<80xi32, #tpu.memory_space<vmem>>)
    %dma_start3A_139 = arith.constant 0 : i32
    %dma_start3A_140 = arith.constant 0 : i32
    %dma_start3A_141 = tpu.memref_slice %arg2[%dma_start3A_139, %dma_start3A_140] : memref<10000x128xf32, #tpu.memory_space<hbm>> -> memref<10000x128xf32, #tpu.memory_space<hbm>>
    tpu.enqueue_indirect_dma source(%dma_start3A_141 : memref<10000x128xf32, #tpu.memory_space<hbm>>) target(%arg16 : memref<80x128xf32, #tpu.memory_space<vmem>>) offsets(%arg12 : memref<80xi32, #tpu.memory_space<vmem>>) semaphore(%arg22 : memref<!tpu.dma_semaphore, #tpu.memory_space<semaphore_mem>>)
    %add3A_142 = arith.constant 9920 : i32
    %add3A_143 = arith.addi %mul3A_57, %add3A_142 : i32
    %dma_start3A_144 = arith.constant 0 : i32
    %dma_start3A_145 = tpu.memref_slice %arg3[%add3A_143, %dma_start3A_144] : memref<320000x16xf32, #tpu.memory_space<hbm>> -> memref<80x16xf32, #tpu.memory_space<hbm>>
    %dma_start3A_146 = arith.constant 0 : i32
    %dma_start3A_147 = tpu.memref_slice %arg3[%add3A_143, %dma_start3A_146] : memref<320000x16xf32, #tpu.memory_space<hbm>> -> memref<80x16xf32, #tpu.memory_space<hbm>>
    tpu.enqueue_dma source(%dma_start3A_147 : memref<80x16xf32, #tpu.memory_space<hbm>>) target(%arg18 : memref<80x16xf32, #tpu.memory_space<vmem>>) target_semaphore(%arg24 : memref<!tpu.dma_semaphore, #tpu.memory_space<semaphore_mem>>)
    %dma_wait3A_148 = arith.constant 0 : i32
    %dma_wait3A_149 = arith.constant 0 : i32
    %dma_wait3A_150 = tpu.memref_slice %arg2[%dma_wait3A_148, %dma_wait3A_149] : memref<10000x128xf32, #tpu.memory_space<hbm>> -> memref<10000x128xf32, #tpu.memory_space<hbm>>
    tpu.wait_indirect_dma semaphore(%arg22 : memref<!tpu.dma_semaphore, #tpu.memory_space<semaphore_mem>>) src(%dma_wait3A_150 : memref<10000x128xf32, #tpu.memory_space<hbm>>) dst(%arg16 : memref<80x128xf32, #tpu.memory_space<vmem>>)
    %add3A_151 = arith.constant 9920 : i32
    %add3A_152 = arith.addi %mul3A_57, %add3A_151 : i32
    %dma_wait3A_153 = arith.constant 0 : i32
    %dma_wait3A_154 = tpu.memref_slice %arg3[%add3A_152, %dma_wait3A_153] : memref<320000x16xf32, #tpu.memory_space<hbm>> -> memref<80x16xf32, #tpu.memory_space<hbm>>
    %dma_wait3A_155 = arith.constant 0 : i32
    %dma_wait3A_156 = tpu.memref_slice %arg3[%add3A_152, %dma_wait3A_155] : memref<320000x16xf32, #tpu.memory_space<hbm>> -> memref<80x16xf32, #tpu.memory_space<hbm>>
    tpu.wait_dma2 semaphore(%arg24 : memref<!tpu.dma_semaphore, #tpu.memory_space<semaphore_mem>>) src(%dma_wait3A_156 : memref<80x16xf32, #tpu.memory_space<hbm>>) dst(%arg18 : memref<80x16xf32, #tpu.memory_space<vmem>>)
    "tpu.region"() ({
      %run_scoped3A = tpu.sem_alloc : memref<!tpu.dma_semaphore, #tpu.memory_space<semaphore_mem>>
      %dma_start3A_246 = arith.constant 0 : i32
      %dma_start3A_247 = arith.constant 0 : i32
      %dma_start3A_248 = tpu.memref_slice %arg10[%dma_start3A_246, %dma_start3A_247] : memref<10240x128xf32, #tpu.memory_space<vmem_shared>> -> memref<10240x128xf32, #tpu.memory_space<vmem_shared>>
      tpu.enqueue_indirect_dma source(%arg16 : memref<80x128xf32, #tpu.memory_space<vmem>>) target(%dma_start3A_248 : memref<10240x128xf32, #tpu.memory_space<vmem_shared>>) offsets(%arg14 : memref<80xi32, #tpu.memory_space<vmem>>) semaphore(%run_scoped3A : memref<!tpu.dma_semaphore, #tpu.memory_space<semaphore_mem>>) {add = true}
      %dma_wait3A_249 = arith.constant 0 : i32
      %dma_wait3A_250 = arith.constant 0 : i32
      %dma_wait3A_251 = tpu.memref_slice %arg10[%dma_wait3A_249, %dma_wait3A_250] : memref<10240x128xf32, #tpu.memory_space<vmem_shared>> -> memref<10240x128xf32, #tpu.memory_space<vmem_shared>>
      tpu.wait_indirect_dma semaphore(%run_scoped3A : memref<!tpu.dma_semaphore, #tpu.memory_space<semaphore_mem>>) src(%arg16 : memref<80x128xf32, #tpu.memory_space<vmem>>) dst(%dma_wait3A_251 : memref<10240x128xf32, #tpu.memory_space<vmem_shared>>)
      tpu.yield
    }) : () -> ()
    "tpu.region"() ({
      %run_scoped3A = tpu.sem_alloc : memref<!tpu.dma_semaphore, #tpu.memory_space<semaphore_mem>>
      %dma_start3A_246 = arith.constant 0 : i32
      %dma_start3A_247 = arith.constant 0 : i32
      %dma_start3A_248 = tpu.memref_slice %arg11[%dma_start3A_246, %dma_start3A_247] : memref<10240x16xf32, #tpu.memory_space<vmem_shared>> -> memref<10240x16xf32, #tpu.memory_space<vmem_shared>>
      tpu.enqueue_indirect_dma source(%arg18 : memref<80x16xf32, #tpu.memory_space<vmem>>) target(%dma_start3A_248 : memref<10240x16xf32, #tpu.memory_space<vmem_shared>>) offsets(%arg14 : memref<80xi32, #tpu.memory_space<vmem>>) semaphore(%run_scoped3A : memref<!tpu.dma_semaphore, #tpu.memory_space<semaphore_mem>>) {add = true}
      %dma_wait3A_249 = arith.constant 0 : i32
      %dma_wait3A_250 = arith.constant 0 : i32
      %dma_wait3A_251 = tpu.memref_slice %arg11[%dma_wait3A_249, %dma_wait3A_250] : memref<10240x16xf32, #tpu.memory_space<vmem_shared>> -> memref<10240x16xf32, #tpu.memory_space<vmem_shared>>
      tpu.wait_indirect_dma semaphore(%run_scoped3A : memref<!tpu.dma_semaphore, #tpu.memory_space<semaphore_mem>>) src(%arg18 : memref<80x16xf32, #tpu.memory_space<vmem>>) dst(%dma_wait3A_251 : memref<10240x16xf32, #tpu.memory_space<vmem_shared>>)
      tpu.yield
    }) : () -> ()
    %barrier3A_157 = arith.constant 0 : index
    tpu.barrier barrier_id(%barrier3A_157)
    %mul3A_158 = arith.constant 8 : i32
    %mul3A_159 = arith.muli %arg1, %mul3A_158 : i32
    %add3A_160 = arith.constant 0 : i32
    %add3A_161 = arith.addi %mul3A_159, %add3A_160 : i32
    %mul3A_162 = arith.constant 80 : i32
    %mul3A_163 = arith.muli %add3A_161, %mul3A_162 : i32
    %multiple_of3A_164 = tpu.assume_multiple %mul3A_163, 80 : i32
    %mul3A_165 = arith.constant 10240 : i32
    %mul3A_166 = arith.muli %arg0, %mul3A_165 : i32
    %add3A_167 = arith.addi %mul3A_166, %multiple_of3A_164 : i32
    %multiple_of3A_168 = tpu.assume_multiple %add3A_167, 80 : i32
    "tpu.region"() ({
      %run_scoped3A = tpu.sem_alloc : memref<!tpu.dma_semaphore, #tpu.memory_space<semaphore_mem>>
      %dma_start3A_246 = arith.constant 0 : i32
      %dma_start3A_247 = tpu.memref_slice %arg10[%multiple_of3A_164, %dma_start3A_246] : memref<10240x128xf32, #tpu.memory_space<vmem_shared>> -> memref<80x128xf32, #tpu.memory_space<vmem_shared>>
      %dma_start3A_248 = arith.constant 0 : i32
      %dma_start3A_249 = tpu.memref_slice %arg10[%multiple_of3A_164, %dma_start3A_248] : memref<10240x128xf32, #tpu.memory_space<vmem_shared>> -> memref<80x128xf32, #tpu.memory_space<vmem_shared>>
      tpu.enqueue_dma source(%dma_start3A_249 : memref<80x128xf32, #tpu.memory_space<vmem_shared>>) target(%arg16 : memref<80x128xf32, #tpu.memory_space<vmem>>) target_semaphore(%run_scoped3A : memref<!tpu.dma_semaphore, #tpu.memory_space<semaphore_mem>>)
      %dma_wait3A_250 = arith.constant 0 : i32
      %dma_wait3A_251 = tpu.memref_slice %arg10[%multiple_of3A_164, %dma_wait3A_250] : memref<10240x128xf32, #tpu.memory_space<vmem_shared>> -> memref<80x128xf32, #tpu.memory_space<vmem_shared>>
      %dma_wait3A_252 = arith.constant 0 : i32
      %dma_wait3A_253 = tpu.memref_slice %arg10[%multiple_of3A_164, %dma_wait3A_252] : memref<10240x128xf32, #tpu.memory_space<vmem_shared>> -> memref<80x128xf32, #tpu.memory_space<vmem_shared>>
      tpu.wait_dma2 semaphore(%run_scoped3A : memref<!tpu.dma_semaphore, #tpu.memory_space<semaphore_mem>>) src(%dma_wait3A_253 : memref<80x128xf32, #tpu.memory_space<vmem_shared>>) dst(%arg16 : memref<80x128xf32, #tpu.memory_space<vmem>>)
      tpu.yield
    }) : () -> ()
    "tpu.region"() ({
      %run_scoped3A = tpu.sem_alloc : memref<!tpu.dma_semaphore, #tpu.memory_space<semaphore_mem>>
      %dma_start3A_246 = arith.constant 0 : i32
      %dma_start3A_247 = tpu.memref_slice %arg8[%multiple_of3A_168, %dma_start3A_246] : memref<20480x128xf32, #tpu.memory_space<hbm>> -> memref<80x128xf32, #tpu.memory_space<hbm>>
      %dma_start3A_248 = arith.constant 0 : i32
      %dma_start3A_249 = tpu.memref_slice %arg8[%multiple_of3A_168, %dma_start3A_248] : memref<20480x128xf32, #tpu.memory_space<hbm>> -> memref<80x128xf32, #tpu.memory_space<hbm>>
      tpu.enqueue_dma source(%arg16 : memref<80x128xf32, #tpu.memory_space<vmem>>) target(%dma_start3A_249 : memref<80x128xf32, #tpu.memory_space<hbm>>) target_semaphore(%run_scoped3A : memref<!tpu.dma_semaphore, #tpu.memory_space<semaphore_mem>>)
      %dma_wait3A_250 = arith.constant 0 : i32
      %dma_wait3A_251 = tpu.memref_slice %arg8[%multiple_of3A_168, %dma_wait3A_250] : memref<20480x128xf32, #tpu.memory_space<hbm>> -> memref<80x128xf32, #tpu.memory_space<hbm>>
      %dma_wait3A_252 = arith.constant 0 : i32
      %dma_wait3A_253 = tpu.memref_slice %arg8[%multiple_of3A_168, %dma_wait3A_252] : memref<20480x128xf32, #tpu.memory_space<hbm>> -> memref<80x128xf32, #tpu.memory_space<hbm>>
      tpu.wait_dma2 semaphore(%run_scoped3A : memref<!tpu.dma_semaphore, #tpu.memory_space<semaphore_mem>>) src(%arg16 : memref<80x128xf32, #tpu.memory_space<vmem>>) dst(%dma_wait3A_253 : memref<80x128xf32, #tpu.memory_space<hbm>>)
      tpu.yield
    }) : () -> ()
    "tpu.region"() ({
      %run_scoped3A = tpu.sem_alloc : memref<!tpu.dma_semaphore, #tpu.memory_space<semaphore_mem>>
      %dma_start3A_246 = arith.constant 0 : i32
      %dma_start3A_247 = tpu.memref_slice %arg11[%multiple_of3A_164, %dma_start3A_246] : memref<10240x16xf32, #tpu.memory_space<vmem_shared>> -> memref<80x16xf32, #tpu.memory_space<vmem_shared>>
      %dma_start3A_248 = arith.constant 0 : i32
      %dma_start3A_249 = tpu.memref_slice %arg11[%multiple_of3A_164, %dma_start3A_248] : memref<10240x16xf32, #tpu.memory_space<vmem_shared>> -> memref<80x16xf32, #tpu.memory_space<vmem_shared>>
      tpu.enqueue_dma source(%dma_start3A_249 : memref<80x16xf32, #tpu.memory_space<vmem_shared>>) target(%arg18 : memref<80x16xf32, #tpu.memory_space<vmem>>) target_semaphore(%run_scoped3A : memref<!tpu.dma_semaphore, #tpu.memory_space<semaphore_mem>>)
      %dma_wait3A_250 = arith.constant 0 : i32
      %dma_wait3A_251 = tpu.memref_slice %arg11[%multiple_of3A_164, %dma_wait3A_250] : memref<10240x16xf32, #tpu.memory_space<vmem_shared>> -> memref<80x16xf32, #tpu.memory_space<vmem_shared>>
      %dma_wait3A_252 = arith.constant 0 : i32
      %dma_wait3A_253 = tpu.memref_slice %arg11[%multiple_of3A_164, %dma_wait3A_252] : memref<10240x16xf32, #tpu.memory_space<vmem_shared>> -> memref<80x16xf32, #tpu.memory_space<vmem_shared>>
      tpu.wait_dma2 semaphore(%run_scoped3A : memref<!tpu.dma_semaphore, #tpu.memory_space<semaphore_mem>>) src(%dma_wait3A_253 : memref<80x16xf32, #tpu.memory_space<vmem_shared>>) dst(%arg18 : memref<80x16xf32, #tpu.memory_space<vmem>>)
      tpu.yield
    }) : () -> ()
    "tpu.region"() ({
      %run_scoped3A = tpu.sem_alloc : memref<!tpu.dma_semaphore, #tpu.memory_space<semaphore_mem>>
      %dma_start3A_246 = arith.constant 0 : i32
      %dma_start3A_247 = tpu.memref_slice %arg9[%multiple_of3A_168, %dma_start3A_246] : memref<20480x16xf32, #tpu.memory_space<hbm>> -> memref<80x16xf32, #tpu.memory_space<hbm>>
      %dma_start3A_248 = arith.constant 0 : i32
      %dma_start3A_249 = tpu.memref_slice %arg9[%multiple_of3A_168, %dma_start3A_248] : memref<20480x16xf32, #tpu.memory_space<hbm>> -> memref<80x16xf32, #tpu.memory_space<hbm>>
      tpu.enqueue_dma source(%arg18 : memref<80x16xf32, #tpu.memory_space<vmem>>) target(%dma_start3A_249 : memref<80x16xf32, #tpu.memory_space<hbm>>) target_semaphore(%run_scoped3A : memref<!tpu.dma_semaphore, #tpu.memory_space<semaphore_mem>>)
      %dma_wait3A_250 = arith.constant 0 : i32
      %dma_wait3A_251 = tpu.memref_slice %arg9[%multiple_of3A_168, %dma_wait3A_250] : memref<20480x16xf32, #tpu.memory_space<hbm>> -> memref<80x16xf32, #tpu.memory_space<hbm>>
      %dma_wait3A_252 = arith.constant 0 : i32
      %dma_wait3A_253 = tpu.memref_slice %arg9[%multiple_of3A_168, %dma_wait3A_252] : memref<20480x16xf32, #tpu.memory_space<hbm>> -> memref<80x16xf32, #tpu.memory_space<hbm>>
      tpu.wait_dma2 semaphore(%run_scoped3A : memref<!tpu.dma_semaphore, #tpu.memory_space<semaphore_mem>>) src(%arg18 : memref<80x16xf32, #tpu.memory_space<vmem>>) dst(%dma_wait3A_253 : memref<80x16xf32, #tpu.memory_space<hbm>>)
      tpu.yield
    }) : () -> ()
    %mul3A_169 = arith.constant 8 : i32
    %mul3A_170 = arith.muli %arg1, %mul3A_169 : i32
    %add3A_171 = arith.constant 1 : i32
    %add3A_172 = arith.addi %mul3A_170, %add3A_171 : i32
    %mul3A_173 = arith.constant 80 : i32
    %mul3A_174 = arith.muli %add3A_172, %mul3A_173 : i32
    %multiple_of3A_175 = tpu.assume_multiple %mul3A_174, 80 : i32
    %mul3A_176 = arith.constant 10240 : i32
    %mul3A_177 = arith.muli %arg0, %mul3A_176 : i32
    %add3A_178 = arith.addi %mul3A_177, %multiple_of3A_175 : i32
    %multiple_of3A_179 = tpu.assume_multiple %add3A_178, 80 : i32
    "tpu.region"() ({
      %run_scoped3A = tpu.sem_alloc : memref<!tpu.dma_semaphore, #tpu.memory_space<semaphore_mem>>
      %dma_start3A_246 = arith.constant 0 : i32
      %dma_start3A_247 = tpu.memref_slice %arg10[%multiple_of3A_175, %dma_start3A_246] : memref<10240x128xf32, #tpu.memory_space<vmem_shared>> -> memref<80x128xf32, #tpu.memory_space<vmem_shared>>
      %dma_start3A_248 = arith.constant 0 : i32
      %dma_start3A_249 = tpu.memref_slice %arg10[%multiple_of3A_175, %dma_start3A_248] : memref<10240x128xf32, #tpu.memory_space<vmem_shared>> -> memref<80x128xf32, #tpu.memory_space<vmem_shared>>
      tpu.enqueue_dma source(%dma_start3A_249 : memref<80x128xf32, #tpu.memory_space<vmem_shared>>) target(%arg16 : memref<80x128xf32, #tpu.memory_space<vmem>>) target_semaphore(%run_scoped3A : memref<!tpu.dma_semaphore, #tpu.memory_space<semaphore_mem>>)
      %dma_wait3A_250 = arith.constant 0 : i32
      %dma_wait3A_251 = tpu.memref_slice %arg10[%multiple_of3A_175, %dma_wait3A_250] : memref<10240x128xf32, #tpu.memory_space<vmem_shared>> -> memref<80x128xf32, #tpu.memory_space<vmem_shared>>
      %dma_wait3A_252 = arith.constant 0 : i32
      %dma_wait3A_253 = tpu.memref_slice %arg10[%multiple_of3A_175, %dma_wait3A_252] : memref<10240x128xf32, #tpu.memory_space<vmem_shared>> -> memref<80x128xf32, #tpu.memory_space<vmem_shared>>
      tpu.wait_dma2 semaphore(%run_scoped3A : memref<!tpu.dma_semaphore, #tpu.memory_space<semaphore_mem>>) src(%dma_wait3A_253 : memref<80x128xf32, #tpu.memory_space<vmem_shared>>) dst(%arg16 : memref<80x128xf32, #tpu.memory_space<vmem>>)
      tpu.yield
    }) : () -> ()
    "tpu.region"() ({
      %run_scoped3A = tpu.sem_alloc : memref<!tpu.dma_semaphore, #tpu.memory_space<semaphore_mem>>
      %dma_start3A_246 = arith.constant 0 : i32
      %dma_start3A_247 = tpu.memref_slice %arg8[%multiple_of3A_179, %dma_start3A_246] : memref<20480x128xf32, #tpu.memory_space<hbm>> -> memref<80x128xf32, #tpu.memory_space<hbm>>
      %dma_start3A_248 = arith.constant 0 : i32
      %dma_start3A_249 = tpu.memref_slice %arg8[%multiple_of3A_179, %dma_start3A_248] : memref<20480x128xf32, #tpu.memory_space<hbm>> -> memref<80x128xf32, #tpu.memory_space<hbm>>
      tpu.enqueue_dma source(%arg16 : memref<80x128xf32, #tpu.memory_space<vmem>>) target(%dma_start3A_249 : memref<80x128xf32, #tpu.memory_space<hbm>>) target_semaphore(%run_scoped3A : memref<!tpu.dma_semaphore, #tpu.memory_space<semaphore_mem>>)
      %dma_wait3A_250 = arith.constant 0 : i32
      %dma_wait3A_251 = tpu.memref_slice %arg8[%multiple_of3A_179, %dma_wait3A_250] : memref<20480x128xf32, #tpu.memory_space<hbm>> -> memref<80x128xf32, #tpu.memory_space<hbm>>
      %dma_wait3A_252 = arith.constant 0 : i32
      %dma_wait3A_253 = tpu.memref_slice %arg8[%multiple_of3A_179, %dma_wait3A_252] : memref<20480x128xf32, #tpu.memory_space<hbm>> -> memref<80x128xf32, #tpu.memory_space<hbm>>
      tpu.wait_dma2 semaphore(%run_scoped3A : memref<!tpu.dma_semaphore, #tpu.memory_space<semaphore_mem>>) src(%arg16 : memref<80x128xf32, #tpu.memory_space<vmem>>) dst(%dma_wait3A_253 : memref<80x128xf32, #tpu.memory_space<hbm>>)
      tpu.yield
    }) : () -> ()
    "tpu.region"() ({
      %run_scoped3A = tpu.sem_alloc : memref<!tpu.dma_semaphore, #tpu.memory_space<semaphore_mem>>
      %dma_start3A_246 = arith.constant 0 : i32
      %dma_start3A_247 = tpu.memref_slice %arg11[%multiple_of3A_175, %dma_start3A_246] : memref<10240x16xf32, #tpu.memory_space<vmem_shared>> -> memref<80x16xf32, #tpu.memory_space<vmem_shared>>
      %dma_start3A_248 = arith.constant 0 : i32
      %dma_start3A_249 = tpu.memref_slice %arg11[%multiple_of3A_175, %dma_start3A_248] : memref<10240x16xf32, #tpu.memory_space<vmem_shared>> -> memref<80x16xf32, #tpu.memory_space<vmem_shared>>
      tpu.enqueue_dma source(%dma_start3A_249 : memref<80x16xf32, #tpu.memory_space<vmem_shared>>) target(%arg18 : memref<80x16xf32, #tpu.memory_space<vmem>>) target_semaphore(%run_scoped3A : memref<!tpu.dma_semaphore, #tpu.memory_space<semaphore_mem>>)
      %dma_wait3A_250 = arith.constant 0 : i32
      %dma_wait3A_251 = tpu.memref_slice %arg11[%multiple_of3A_175, %dma_wait3A_250] : memref<10240x16xf32, #tpu.memory_space<vmem_shared>> -> memref<80x16xf32, #tpu.memory_space<vmem_shared>>
      %dma_wait3A_252 = arith.constant 0 : i32
      %dma_wait3A_253 = tpu.memref_slice %arg11[%multiple_of3A_175, %dma_wait3A_252] : memref<10240x16xf32, #tpu.memory_space<vmem_shared>> -> memref<80x16xf32, #tpu.memory_space<vmem_shared>>
      tpu.wait_dma2 semaphore(%run_scoped3A : memref<!tpu.dma_semaphore, #tpu.memory_space<semaphore_mem>>) src(%dma_wait3A_253 : memref<80x16xf32, #tpu.memory_space<vmem_shared>>) dst(%arg18 : memref<80x16xf32, #tpu.memory_space<vmem>>)
      tpu.yield
    }) : () -> ()
    "tpu.region"() ({
      %run_scoped3A = tpu.sem_alloc : memref<!tpu.dma_semaphore, #tpu.memory_space<semaphore_mem>>
      %dma_start3A_246 = arith.constant 0 : i32
      %dma_start3A_247 = tpu.memref_slice %arg9[%multiple_of3A_179, %dma_start3A_246] : memref<20480x16xf32, #tpu.memory_space<hbm>> -> memref<80x16xf32, #tpu.memory_space<hbm>>
      %dma_start3A_248 = arith.constant 0 : i32
      %dma_start3A_249 = tpu.memref_slice %arg9[%multiple_of3A_179, %dma_start3A_248] : memref<20480x16xf32, #tpu.memory_space<hbm>> -> memref<80x16xf32, #tpu.memory_space<hbm>>
      tpu.enqueue_dma source(%arg18 : memref<80x16xf32, #tpu.memory_space<vmem>>) target(%dma_start3A_249 : memref<80x16xf32, #tpu.memory_space<hbm>>) target_semaphore(%run_scoped3A : memref<!tpu.dma_semaphore, #tpu.memory_space<semaphore_mem>>)
      %dma_wait3A_250 = arith.constant 0 : i32
      %dma_wait3A_251 = tpu.memref_slice %arg9[%multiple_of3A_179, %dma_wait3A_250] : memref<20480x16xf32, #tpu.memory_space<hbm>> -> memref<80x16xf32, #tpu.memory_space<hbm>>
      %dma_wait3A_252 = arith.constant 0 : i32
      %dma_wait3A_253 = tpu.memref_slice %arg9[%multiple_of3A_179, %dma_wait3A_252] : memref<20480x16xf32, #tpu.memory_space<hbm>> -> memref<80x16xf32, #tpu.memory_space<hbm>>
      tpu.wait_dma2 semaphore(%run_scoped3A : memref<!tpu.dma_semaphore, #tpu.memory_space<semaphore_mem>>) src(%arg18 : memref<80x16xf32, #tpu.memory_space<vmem>>) dst(%dma_wait3A_253 : memref<80x16xf32, #tpu.memory_space<hbm>>)
      tpu.yield
    }) : () -> ()
    %mul3A_180 = arith.constant 8 : i32
    %mul3A_181 = arith.muli %arg1, %mul3A_180 : i32
    %add3A_182 = arith.constant 2 : i32
    %add3A_183 = arith.addi %mul3A_181, %add3A_182 : i32
    %mul3A_184 = arith.constant 80 : i32
    %mul3A_185 = arith.muli %add3A_183, %mul3A_184 : i32
    %multiple_of3A_186 = tpu.assume_multiple %mul3A_185, 80 : i32
    %mul3A_187 = arith.constant 10240 : i32
    %mul3A_188 = arith.muli %arg0, %mul3A_187 : i32
    %add3A_189 = arith.addi %mul3A_188, %multiple_of3A_186 : i32
    %multiple_of3A_190 = tpu.assume_multiple %add3A_189, 80 : i32
    "tpu.region"() ({
      %run_scoped3A = tpu.sem_alloc : memref<!tpu.dma_semaphore, #tpu.memory_space<semaphore_mem>>
      %dma_start3A_246 = arith.constant 0 : i32
      %dma_start3A_247 = tpu.memref_slice %arg10[%multiple_of3A_186, %dma_start3A_246] : memref<10240x128xf32, #tpu.memory_space<vmem_shared>> -> memref<80x128xf32, #tpu.memory_space<vmem_shared>>
      %dma_start3A_248 = arith.constant 0 : i32
      %dma_start3A_249 = tpu.memref_slice %arg10[%multiple_of3A_186, %dma_start3A_248] : memref<10240x128xf32, #tpu.memory_space<vmem_shared>> -> memref<80x128xf32, #tpu.memory_space<vmem_shared>>
      tpu.enqueue_dma source(%dma_start3A_249 : memref<80x128xf32, #tpu.memory_space<vmem_shared>>) target(%arg16 : memref<80x128xf32, #tpu.memory_space<vmem>>) target_semaphore(%run_scoped3A : memref<!tpu.dma_semaphore, #tpu.memory_space<semaphore_mem>>)
      %dma_wait3A_250 = arith.constant 0 : i32
      %dma_wait3A_251 = tpu.memref_slice %arg10[%multiple_of3A_186, %dma_wait3A_250] : memref<10240x128xf32, #tpu.memory_space<vmem_shared>> -> memref<80x128xf32, #tpu.memory_space<vmem_shared>>
      %dma_wait3A_252 = arith.constant 0 : i32
      %dma_wait3A_253 = tpu.memref_slice %arg10[%multiple_of3A_186, %dma_wait3A_252] : memref<10240x128xf32, #tpu.memory_space<vmem_shared>> -> memref<80x128xf32, #tpu.memory_space<vmem_shared>>
      tpu.wait_dma2 semaphore(%run_scoped3A : memref<!tpu.dma_semaphore, #tpu.memory_space<semaphore_mem>>) src(%dma_wait3A_253 : memref<80x128xf32, #tpu.memory_space<vmem_shared>>) dst(%arg16 : memref<80x128xf32, #tpu.memory_space<vmem>>)
      tpu.yield
    }) : () -> ()
    "tpu.region"() ({
      %run_scoped3A = tpu.sem_alloc : memref<!tpu.dma_semaphore, #tpu.memory_space<semaphore_mem>>
      %dma_start3A_246 = arith.constant 0 : i32
      %dma_start3A_247 = tpu.memref_slice %arg8[%multiple_of3A_190, %dma_start3A_246] : memref<20480x128xf32, #tpu.memory_space<hbm>> -> memref<80x128xf32, #tpu.memory_space<hbm>>
      %dma_start3A_248 = arith.constant 0 : i32
      %dma_start3A_249 = tpu.memref_slice %arg8[%multiple_of3A_190, %dma_start3A_248] : memref<20480x128xf32, #tpu.memory_space<hbm>> -> memref<80x128xf32, #tpu.memory_space<hbm>>
      tpu.enqueue_dma source(%arg16 : memref<80x128xf32, #tpu.memory_space<vmem>>) target(%dma_start3A_249 : memref<80x128xf32, #tpu.memory_space<hbm>>) target_semaphore(%run_scoped3A : memref<!tpu.dma_semaphore, #tpu.memory_space<semaphore_mem>>)
      %dma_wait3A_250 = arith.constant 0 : i32
      %dma_wait3A_251 = tpu.memref_slice %arg8[%multiple_of3A_190, %dma_wait3A_250] : memref<20480x128xf32, #tpu.memory_space<hbm>> -> memref<80x128xf32, #tpu.memory_space<hbm>>
      %dma_wait3A_252 = arith.constant 0 : i32
      %dma_wait3A_253 = tpu.memref_slice %arg8[%multiple_of3A_190, %dma_wait3A_252] : memref<20480x128xf32, #tpu.memory_space<hbm>> -> memref<80x128xf32, #tpu.memory_space<hbm>>
      tpu.wait_dma2 semaphore(%run_scoped3A : memref<!tpu.dma_semaphore, #tpu.memory_space<semaphore_mem>>) src(%arg16 : memref<80x128xf32, #tpu.memory_space<vmem>>) dst(%dma_wait3A_253 : memref<80x128xf32, #tpu.memory_space<hbm>>)
      tpu.yield
    }) : () -> ()
    "tpu.region"() ({
      %run_scoped3A = tpu.sem_alloc : memref<!tpu.dma_semaphore, #tpu.memory_space<semaphore_mem>>
      %dma_start3A_246 = arith.constant 0 : i32
      %dma_start3A_247 = tpu.memref_slice %arg11[%multiple_of3A_186, %dma_start3A_246] : memref<10240x16xf32, #tpu.memory_space<vmem_shared>> -> memref<80x16xf32, #tpu.memory_space<vmem_shared>>
      %dma_start3A_248 = arith.constant 0 : i32
      %dma_start3A_249 = tpu.memref_slice %arg11[%multiple_of3A_186, %dma_start3A_248] : memref<10240x16xf32, #tpu.memory_space<vmem_shared>> -> memref<80x16xf32, #tpu.memory_space<vmem_shared>>
      tpu.enqueue_dma source(%dma_start3A_249 : memref<80x16xf32, #tpu.memory_space<vmem_shared>>) target(%arg18 : memref<80x16xf32, #tpu.memory_space<vmem>>) target_semaphore(%run_scoped3A : memref<!tpu.dma_semaphore, #tpu.memory_space<semaphore_mem>>)
      %dma_wait3A_250 = arith.constant 0 : i32
      %dma_wait3A_251 = tpu.memref_slice %arg11[%multiple_of3A_186, %dma_wait3A_250] : memref<10240x16xf32, #tpu.memory_space<vmem_shared>> -> memref<80x16xf32, #tpu.memory_space<vmem_shared>>
      %dma_wait3A_252 = arith.constant 0 : i32
      %dma_wait3A_253 = tpu.memref_slice %arg11[%multiple_of3A_186, %dma_wait3A_252] : memref<10240x16xf32, #tpu.memory_space<vmem_shared>> -> memref<80x16xf32, #tpu.memory_space<vmem_shared>>
      tpu.wait_dma2 semaphore(%run_scoped3A : memref<!tpu.dma_semaphore, #tpu.memory_space<semaphore_mem>>) src(%dma_wait3A_253 : memref<80x16xf32, #tpu.memory_space<vmem_shared>>) dst(%arg18 : memref<80x16xf32, #tpu.memory_space<vmem>>)
      tpu.yield
    }) : () -> ()
    "tpu.region"() ({
      %run_scoped3A = tpu.sem_alloc : memref<!tpu.dma_semaphore, #tpu.memory_space<semaphore_mem>>
      %dma_start3A_246 = arith.constant 0 : i32
      %dma_start3A_247 = tpu.memref_slice %arg9[%multiple_of3A_190, %dma_start3A_246] : memref<20480x16xf32, #tpu.memory_space<hbm>> -> memref<80x16xf32, #tpu.memory_space<hbm>>
      %dma_start3A_248 = arith.constant 0 : i32
      %dma_start3A_249 = tpu.memref_slice %arg9[%multiple_of3A_190, %dma_start3A_248] : memref<20480x16xf32, #tpu.memory_space<hbm>> -> memref<80x16xf32, #tpu.memory_space<hbm>>
      tpu.enqueue_dma source(%arg18 : memref<80x16xf32, #tpu.memory_space<vmem>>) target(%dma_start3A_249 : memref<80x16xf32, #tpu.memory_space<hbm>>) target_semaphore(%run_scoped3A : memref<!tpu.dma_semaphore, #tpu.memory_space<semaphore_mem>>)
      %dma_wait3A_250 = arith.constant 0 : i32
      %dma_wait3A_251 = tpu.memref_slice %arg9[%multiple_of3A_190, %dma_wait3A_250] : memref<20480x16xf32, #tpu.memory_space<hbm>> -> memref<80x16xf32, #tpu.memory_space<hbm>>
      %dma_wait3A_252 = arith.constant 0 : i32
      %dma_wait3A_253 = tpu.memref_slice %arg9[%multiple_of3A_190, %dma_wait3A_252] : memref<20480x16xf32, #tpu.memory_space<hbm>> -> memref<80x16xf32, #tpu.memory_space<hbm>>
      tpu.wait_dma2 semaphore(%run_scoped3A : memref<!tpu.dma_semaphore, #tpu.memory_space<semaphore_mem>>) src(%arg18 : memref<80x16xf32, #tpu.memory_space<vmem>>) dst(%dma_wait3A_253 : memref<80x16xf32, #tpu.memory_space<hbm>>)
      tpu.yield
    }) : () -> ()
    %mul3A_191 = arith.constant 8 : i32
    %mul3A_192 = arith.muli %arg1, %mul3A_191 : i32
    %add3A_193 = arith.constant 3 : i32
    %add3A_194 = arith.addi %mul3A_192, %add3A_193 : i32
    %mul3A_195 = arith.constant 80 : i32
    %mul3A_196 = arith.muli %add3A_194, %mul3A_195 : i32
    %multiple_of3A_197 = tpu.assume_multiple %mul3A_196, 80 : i32
    %mul3A_198 = arith.constant 10240 : i32
    %mul3A_199 = arith.muli %arg0, %mul3A_198 : i32
    %add3A_200 = arith.addi %mul3A_199, %multiple_of3A_197 : i32
    %multiple_of3A_201 = tpu.assume_multiple %add3A_200, 80 : i32
    "tpu.region"() ({
      %run_scoped3A = tpu.sem_alloc : memref<!tpu.dma_semaphore, #tpu.memory_space<semaphore_mem>>
      %dma_start3A_246 = arith.constant 0 : i32
      %dma_start3A_247 = tpu.memref_slice %arg10[%multiple_of3A_197, %dma_start3A_246] : memref<10240x128xf32, #tpu.memory_space<vmem_shared>> -> memref<80x128xf32, #tpu.memory_space<vmem_shared>>
      %dma_start3A_248 = arith.constant 0 : i32
      %dma_start3A_249 = tpu.memref_slice %arg10[%multiple_of3A_197, %dma_start3A_248] : memref<10240x128xf32, #tpu.memory_space<vmem_shared>> -> memref<80x128xf32, #tpu.memory_space<vmem_shared>>
      tpu.enqueue_dma source(%dma_start3A_249 : memref<80x128xf32, #tpu.memory_space<vmem_shared>>) target(%arg16 : memref<80x128xf32, #tpu.memory_space<vmem>>) target_semaphore(%run_scoped3A : memref<!tpu.dma_semaphore, #tpu.memory_space<semaphore_mem>>)
      %dma_wait3A_250 = arith.constant 0 : i32
      %dma_wait3A_251 = tpu.memref_slice %arg10[%multiple_of3A_197, %dma_wait3A_250] : memref<10240x128xf32, #tpu.memory_space<vmem_shared>> -> memref<80x128xf32, #tpu.memory_space<vmem_shared>>
      %dma_wait3A_252 = arith.constant 0 : i32
      %dma_wait3A_253 = tpu.memref_slice %arg10[%multiple_of3A_197, %dma_wait3A_252] : memref<10240x128xf32, #tpu.memory_space<vmem_shared>> -> memref<80x128xf32, #tpu.memory_space<vmem_shared>>
      tpu.wait_dma2 semaphore(%run_scoped3A : memref<!tpu.dma_semaphore, #tpu.memory_space<semaphore_mem>>) src(%dma_wait3A_253 : memref<80x128xf32, #tpu.memory_space<vmem_shared>>) dst(%arg16 : memref<80x128xf32, #tpu.memory_space<vmem>>)
      tpu.yield
    }) : () -> ()
    "tpu.region"() ({
      %run_scoped3A = tpu.sem_alloc : memref<!tpu.dma_semaphore, #tpu.memory_space<semaphore_mem>>
      %dma_start3A_246 = arith.constant 0 : i32
      %dma_start3A_247 = tpu.memref_slice %arg8[%multiple_of3A_201, %dma_start3A_246] : memref<20480x128xf32, #tpu.memory_space<hbm>> -> memref<80x128xf32, #tpu.memory_space<hbm>>
      %dma_start3A_248 = arith.constant 0 : i32
      %dma_start3A_249 = tpu.memref_slice %arg8[%multiple_of3A_201, %dma_start3A_248] : memref<20480x128xf32, #tpu.memory_space<hbm>> -> memref<80x128xf32, #tpu.memory_space<hbm>>
      tpu.enqueue_dma source(%arg16 : memref<80x128xf32, #tpu.memory_space<vmem>>) target(%dma_start3A_249 : memref<80x128xf32, #tpu.memory_space<hbm>>) target_semaphore(%run_scoped3A : memref<!tpu.dma_semaphore, #tpu.memory_space<semaphore_mem>>)
      %dma_wait3A_250 = arith.constant 0 : i32
      %dma_wait3A_251 = tpu.memref_slice %arg8[%multiple_of3A_201, %dma_wait3A_250] : memref<20480x128xf32, #tpu.memory_space<hbm>> -> memref<80x128xf32, #tpu.memory_space<hbm>>
      %dma_wait3A_252 = arith.constant 0 : i32
      %dma_wait3A_253 = tpu.memref_slice %arg8[%multiple_of3A_201, %dma_wait3A_252] : memref<20480x128xf32, #tpu.memory_space<hbm>> -> memref<80x128xf32, #tpu.memory_space<hbm>>
      tpu.wait_dma2 semaphore(%run_scoped3A : memref<!tpu.dma_semaphore, #tpu.memory_space<semaphore_mem>>) src(%arg16 : memref<80x128xf32, #tpu.memory_space<vmem>>) dst(%dma_wait3A_253 : memref<80x128xf32, #tpu.memory_space<hbm>>)
      tpu.yield
    }) : () -> ()
    "tpu.region"() ({
      %run_scoped3A = tpu.sem_alloc : memref<!tpu.dma_semaphore, #tpu.memory_space<semaphore_mem>>
      %dma_start3A_246 = arith.constant 0 : i32
      %dma_start3A_247 = tpu.memref_slice %arg11[%multiple_of3A_197, %dma_start3A_246] : memref<10240x16xf32, #tpu.memory_space<vmem_shared>> -> memref<80x16xf32, #tpu.memory_space<vmem_shared>>
      %dma_start3A_248 = arith.constant 0 : i32
      %dma_start3A_249 = tpu.memref_slice %arg11[%multiple_of3A_197, %dma_start3A_248] : memref<10240x16xf32, #tpu.memory_space<vmem_shared>> -> memref<80x16xf32, #tpu.memory_space<vmem_shared>>
      tpu.enqueue_dma source(%dma_start3A_249 : memref<80x16xf32, #tpu.memory_space<vmem_shared>>) target(%arg18 : memref<80x16xf32, #tpu.memory_space<vmem>>) target_semaphore(%run_scoped3A : memref<!tpu.dma_semaphore, #tpu.memory_space<semaphore_mem>>)
      %dma_wait3A_250 = arith.constant 0 : i32
      %dma_wait3A_251 = tpu.memref_slice %arg11[%multiple_of3A_197, %dma_wait3A_250] : memref<10240x16xf32, #tpu.memory_space<vmem_shared>> -> memref<80x16xf32, #tpu.memory_space<vmem_shared>>
      %dma_wait3A_252 = arith.constant 0 : i32
      %dma_wait3A_253 = tpu.memref_slice %arg11[%multiple_of3A_197, %dma_wait3A_252] : memref<10240x16xf32, #tpu.memory_space<vmem_shared>> -> memref<80x16xf32, #tpu.memory_space<vmem_shared>>
      tpu.wait_dma2 semaphore(%run_scoped3A : memref<!tpu.dma_semaphore, #tpu.memory_space<semaphore_mem>>) src(%dma_wait3A_253 : memref<80x16xf32, #tpu.memory_space<vmem_shared>>) dst(%arg18 : memref<80x16xf32, #tpu.memory_space<vmem>>)
      tpu.yield
    }) : () -> ()
    "tpu.region"() ({
      %run_scoped3A = tpu.sem_alloc : memref<!tpu.dma_semaphore, #tpu.memory_space<semaphore_mem>>
      %dma_start3A_246 = arith.constant 0 : i32
      %dma_start3A_247 = tpu.memref_slice %arg9[%multiple_of3A_201, %dma_start3A_246] : memref<20480x16xf32, #tpu.memory_space<hbm>> -> memref<80x16xf32, #tpu.memory_space<hbm>>
      %dma_start3A_248 = arith.constant 0 : i32
      %dma_start3A_249 = tpu.memref_slice %arg9[%multiple_of3A_201, %dma_start3A_248] : memref<20480x16xf32, #tpu.memory_space<hbm>> -> memref<80x16xf32, #tpu.memory_space<hbm>>
      tpu.enqueue_dma source(%arg18 : memref<80x16xf32, #tpu.memory_space<vmem>>) target(%dma_start3A_249 : memref<80x16xf32, #tpu.memory_space<hbm>>) target_semaphore(%run_scoped3A : memref<!tpu.dma_semaphore, #tpu.memory_space<semaphore_mem>>)
      %dma_wait3A_250 = arith.constant 0 : i32
      %dma_wait3A_251 = tpu.memref_slice %arg9[%multiple_of3A_201, %dma_wait3A_250] : memref<20480x16xf32, #tpu.memory_space<hbm>> -> memref<80x16xf32, #tpu.memory_space<hbm>>
      %dma_wait3A_252 = arith.constant 0 : i32
      %dma_wait3A_253 = tpu.memref_slice %arg9[%multiple_of3A_201, %dma_wait3A_252] : memref<20480x16xf32, #tpu.memory_space<hbm>> -> memref<80x16xf32, #tpu.memory_space<hbm>>
      tpu.wait_dma2 semaphore(%run_scoped3A : memref<!tpu.dma_semaphore, #tpu.memory_space<semaphore_mem>>) src(%arg18 : memref<80x16xf32, #tpu.memory_space<vmem>>) dst(%dma_wait3A_253 : memref<80x16xf32, #tpu.memory_space<hbm>>)
      tpu.yield
    }) : () -> ()
    %mul3A_202 = arith.constant 8 : i32
    %mul3A_203 = arith.muli %arg1, %mul3A_202 : i32
    %add3A_204 = arith.constant 4 : i32
    %add3A_205 = arith.addi %mul3A_203, %add3A_204 : i32
    %mul3A_206 = arith.constant 80 : i32
    %mul3A_207 = arith.muli %add3A_205, %mul3A_206 : i32
    %multiple_of3A_208 = tpu.assume_multiple %mul3A_207, 80 : i32
    %mul3A_209 = arith.constant 10240 : i32
    %mul3A_210 = arith.muli %arg0, %mul3A_209 : i32
    %add3A_211 = arith.addi %mul3A_210, %multiple_of3A_208 : i32
    %multiple_of3A_212 = tpu.assume_multiple %add3A_211, 80 : i32
    "tpu.region"() ({
      %run_scoped3A = tpu.sem_alloc : memref<!tpu.dma_semaphore, #tpu.memory_space<semaphore_mem>>
      %dma_start3A_246 = arith.constant 0 : i32
      %dma_start3A_247 = tpu.memref_slice %arg10[%multiple_of3A_208, %dma_start3A_246] : memref<10240x128xf32, #tpu.memory_space<vmem_shared>> -> memref<80x128xf32, #tpu.memory_space<vmem_shared>>
      %dma_start3A_248 = arith.constant 0 : i32
      %dma_start3A_249 = tpu.memref_slice %arg10[%multiple_of3A_208, %dma_start3A_248] : memref<10240x128xf32, #tpu.memory_space<vmem_shared>> -> memref<80x128xf32, #tpu.memory_space<vmem_shared>>
      tpu.enqueue_dma source(%dma_start3A_249 : memref<80x128xf32, #tpu.memory_space<vmem_shared>>) target(%arg16 : memref<80x128xf32, #tpu.memory_space<vmem>>) target_semaphore(%run_scoped3A : memref<!tpu.dma_semaphore, #tpu.memory_space<semaphore_mem>>)
      %dma_wait3A_250 = arith.constant 0 : i32
      %dma_wait3A_251 = tpu.memref_slice %arg10[%multiple_of3A_208, %dma_wait3A_250] : memref<10240x128xf32, #tpu.memory_space<vmem_shared>> -> memref<80x128xf32, #tpu.memory_space<vmem_shared>>
      %dma_wait3A_252 = arith.constant 0 : i32
      %dma_wait3A_253 = tpu.memref_slice %arg10[%multiple_of3A_208, %dma_wait3A_252] : memref<10240x128xf32, #tpu.memory_space<vmem_shared>> -> memref<80x128xf32, #tpu.memory_space<vmem_shared>>
      tpu.wait_dma2 semaphore(%run_scoped3A : memref<!tpu.dma_semaphore, #tpu.memory_space<semaphore_mem>>) src(%dma_wait3A_253 : memref<80x128xf32, #tpu.memory_space<vmem_shared>>) dst(%arg16 : memref<80x128xf32, #tpu.memory_space<vmem>>)
      tpu.yield
    }) : () -> ()
    "tpu.region"() ({
      %run_scoped3A = tpu.sem_alloc : memref<!tpu.dma_semaphore, #tpu.memory_space<semaphore_mem>>
      %dma_start3A_246 = arith.constant 0 : i32
      %dma_start3A_247 = tpu.memref_slice %arg8[%multiple_of3A_212, %dma_start3A_246] : memref<20480x128xf32, #tpu.memory_space<hbm>> -> memref<80x128xf32, #tpu.memory_space<hbm>>
      %dma_start3A_248 = arith.constant 0 : i32
      %dma_start3A_249 = tpu.memref_slice %arg8[%multiple_of3A_212, %dma_start3A_248] : memref<20480x128xf32, #tpu.memory_space<hbm>> -> memref<80x128xf32, #tpu.memory_space<hbm>>
      tpu.enqueue_dma source(%arg16 : memref<80x128xf32, #tpu.memory_space<vmem>>) target(%dma_start3A_249 : memref<80x128xf32, #tpu.memory_space<hbm>>) target_semaphore(%run_scoped3A : memref<!tpu.dma_semaphore, #tpu.memory_space<semaphore_mem>>)
      %dma_wait3A_250 = arith.constant 0 : i32
      %dma_wait3A_251 = tpu.memref_slice %arg8[%multiple_of3A_212, %dma_wait3A_250] : memref<20480x128xf32, #tpu.memory_space<hbm>> -> memref<80x128xf32, #tpu.memory_space<hbm>>
      %dma_wait3A_252 = arith.constant 0 : i32
      %dma_wait3A_253 = tpu.memref_slice %arg8[%multiple_of3A_212, %dma_wait3A_252] : memref<20480x128xf32, #tpu.memory_space<hbm>> -> memref<80x128xf32, #tpu.memory_space<hbm>>
      tpu.wait_dma2 semaphore(%run_scoped3A : memref<!tpu.dma_semaphore, #tpu.memory_space<semaphore_mem>>) src(%arg16 : memref<80x128xf32, #tpu.memory_space<vmem>>) dst(%dma_wait3A_253 : memref<80x128xf32, #tpu.memory_space<hbm>>)
      tpu.yield
    }) : () -> ()
    "tpu.region"() ({
      %run_scoped3A = tpu.sem_alloc : memref<!tpu.dma_semaphore, #tpu.memory_space<semaphore_mem>>
      %dma_start3A_246 = arith.constant 0 : i32
      %dma_start3A_247 = tpu.memref_slice %arg11[%multiple_of3A_208, %dma_start3A_246] : memref<10240x16xf32, #tpu.memory_space<vmem_shared>> -> memref<80x16xf32, #tpu.memory_space<vmem_shared>>
      %dma_start3A_248 = arith.constant 0 : i32
      %dma_start3A_249 = tpu.memref_slice %arg11[%multiple_of3A_208, %dma_start3A_248] : memref<10240x16xf32, #tpu.memory_space<vmem_shared>> -> memref<80x16xf32, #tpu.memory_space<vmem_shared>>
      tpu.enqueue_dma source(%dma_start3A_249 : memref<80x16xf32, #tpu.memory_space<vmem_shared>>) target(%arg18 : memref<80x16xf32, #tpu.memory_space<vmem>>) target_semaphore(%run_scoped3A : memref<!tpu.dma_semaphore, #tpu.memory_space<semaphore_mem>>)
      %dma_wait3A_250 = arith.constant 0 : i32
      %dma_wait3A_251 = tpu.memref_slice %arg11[%multiple_of3A_208, %dma_wait3A_250] : memref<10240x16xf32, #tpu.memory_space<vmem_shared>> -> memref<80x16xf32, #tpu.memory_space<vmem_shared>>
      %dma_wait3A_252 = arith.constant 0 : i32
      %dma_wait3A_253 = tpu.memref_slice %arg11[%multiple_of3A_208, %dma_wait3A_252] : memref<10240x16xf32, #tpu.memory_space<vmem_shared>> -> memref<80x16xf32, #tpu.memory_space<vmem_shared>>
      tpu.wait_dma2 semaphore(%run_scoped3A : memref<!tpu.dma_semaphore, #tpu.memory_space<semaphore_mem>>) src(%dma_wait3A_253 : memref<80x16xf32, #tpu.memory_space<vmem_shared>>) dst(%arg18 : memref<80x16xf32, #tpu.memory_space<vmem>>)
      tpu.yield
    }) : () -> ()
    "tpu.region"() ({
      %run_scoped3A = tpu.sem_alloc : memref<!tpu.dma_semaphore, #tpu.memory_space<semaphore_mem>>
      %dma_start3A_246 = arith.constant 0 : i32
      %dma_start3A_247 = tpu.memref_slice %arg9[%multiple_of3A_212, %dma_start3A_246] : memref<20480x16xf32, #tpu.memory_space<hbm>> -> memref<80x16xf32, #tpu.memory_space<hbm>>
      %dma_start3A_248 = arith.constant 0 : i32
      %dma_start3A_249 = tpu.memref_slice %arg9[%multiple_of3A_212, %dma_start3A_248] : memref<20480x16xf32, #tpu.memory_space<hbm>> -> memref<80x16xf32, #tpu.memory_space<hbm>>
      tpu.enqueue_dma source(%arg18 : memref<80x16xf32, #tpu.memory_space<vmem>>) target(%dma_start3A_249 : memref<80x16xf32, #tpu.memory_space<hbm>>) target_semaphore(%run_scoped3A : memref<!tpu.dma_semaphore, #tpu.memory_space<semaphore_mem>>)
      %dma_wait3A_250 = arith.constant 0 : i32
      %dma_wait3A_251 = tpu.memref_slice %arg9[%multiple_of3A_212, %dma_wait3A_250] : memref<20480x16xf32, #tpu.memory_space<hbm>> -> memref<80x16xf32, #tpu.memory_space<hbm>>
      %dma_wait3A_252 = arith.constant 0 : i32
      %dma_wait3A_253 = tpu.memref_slice %arg9[%multiple_of3A_212, %dma_wait3A_252] : memref<20480x16xf32, #tpu.memory_space<hbm>> -> memref<80x16xf32, #tpu.memory_space<hbm>>
      tpu.wait_dma2 semaphore(%run_scoped3A : memref<!tpu.dma_semaphore, #tpu.memory_space<semaphore_mem>>) src(%arg18 : memref<80x16xf32, #tpu.memory_space<vmem>>) dst(%dma_wait3A_253 : memref<80x16xf32, #tpu.memory_space<hbm>>)
      tpu.yield
    }) : () -> ()
    %mul3A_213 = arith.constant 8 : i32
    %mul3A_214 = arith.muli %arg1, %mul3A_213 : i32
    %add3A_215 = arith.constant 5 : i32
    %add3A_216 = arith.addi %mul3A_214, %add3A_215 : i32
    %mul3A_217 = arith.constant 80 : i32
    %mul3A_218 = arith.muli %add3A_216, %mul3A_217 : i32
    %multiple_of3A_219 = tpu.assume_multiple %mul3A_218, 80 : i32
    %mul3A_220 = arith.constant 10240 : i32
    %mul3A_221 = arith.muli %arg0, %mul3A_220 : i32
    %add3A_222 = arith.addi %mul3A_221, %multiple_of3A_219 : i32
    %multiple_of3A_223 = tpu.assume_multiple %add3A_222, 80 : i32
    "tpu.region"() ({
      %run_scoped3A = tpu.sem_alloc : memref<!tpu.dma_semaphore, #tpu.memory_space<semaphore_mem>>
      %dma_start3A_246 = arith.constant 0 : i32
      %dma_start3A_247 = tpu.memref_slice %arg10[%multiple_of3A_219, %dma_start3A_246] : memref<10240x128xf32, #tpu.memory_space<vmem_shared>> -> memref<80x128xf32, #tpu.memory_space<vmem_shared>>
      %dma_start3A_248 = arith.constant 0 : i32
      %dma_start3A_249 = tpu.memref_slice %arg10[%multiple_of3A_219, %dma_start3A_248] : memref<10240x128xf32, #tpu.memory_space<vmem_shared>> -> memref<80x128xf32, #tpu.memory_space<vmem_shared>>
      tpu.enqueue_dma source(%dma_start3A_249 : memref<80x128xf32, #tpu.memory_space<vmem_shared>>) target(%arg16 : memref<80x128xf32, #tpu.memory_space<vmem>>) target_semaphore(%run_scoped3A : memref<!tpu.dma_semaphore, #tpu.memory_space<semaphore_mem>>)
      %dma_wait3A_250 = arith.constant 0 : i32
      %dma_wait3A_251 = tpu.memref_slice %arg10[%multiple_of3A_219, %dma_wait3A_250] : memref<10240x128xf32, #tpu.memory_space<vmem_shared>> -> memref<80x128xf32, #tpu.memory_space<vmem_shared>>
      %dma_wait3A_252 = arith.constant 0 : i32
      %dma_wait3A_253 = tpu.memref_slice %arg10[%multiple_of3A_219, %dma_wait3A_252] : memref<10240x128xf32, #tpu.memory_space<vmem_shared>> -> memref<80x128xf32, #tpu.memory_space<vmem_shared>>
      tpu.wait_dma2 semaphore(%run_scoped3A : memref<!tpu.dma_semaphore, #tpu.memory_space<semaphore_mem>>) src(%dma_wait3A_253 : memref<80x128xf32, #tpu.memory_space<vmem_shared>>) dst(%arg16 : memref<80x128xf32, #tpu.memory_space<vmem>>)
      tpu.yield
    }) : () -> ()
    "tpu.region"() ({
      %run_scoped3A = tpu.sem_alloc : memref<!tpu.dma_semaphore, #tpu.memory_space<semaphore_mem>>
      %dma_start3A_246 = arith.constant 0 : i32
      %dma_start3A_247 = tpu.memref_slice %arg8[%multiple_of3A_223, %dma_start3A_246] : memref<20480x128xf32, #tpu.memory_space<hbm>> -> memref<80x128xf32, #tpu.memory_space<hbm>>
      %dma_start3A_248 = arith.constant 0 : i32
      %dma_start3A_249 = tpu.memref_slice %arg8[%multiple_of3A_223, %dma_start3A_248] : memref<20480x128xf32, #tpu.memory_space<hbm>> -> memref<80x128xf32, #tpu.memory_space<hbm>>
      tpu.enqueue_dma source(%arg16 : memref<80x128xf32, #tpu.memory_space<vmem>>) target(%dma_start3A_249 : memref<80x128xf32, #tpu.memory_space<hbm>>) target_semaphore(%run_scoped3A : memref<!tpu.dma_semaphore, #tpu.memory_space<semaphore_mem>>)
      %dma_wait3A_250 = arith.constant 0 : i32
      %dma_wait3A_251 = tpu.memref_slice %arg8[%multiple_of3A_223, %dma_wait3A_250] : memref<20480x128xf32, #tpu.memory_space<hbm>> -> memref<80x128xf32, #tpu.memory_space<hbm>>
      %dma_wait3A_252 = arith.constant 0 : i32
      %dma_wait3A_253 = tpu.memref_slice %arg8[%multiple_of3A_223, %dma_wait3A_252] : memref<20480x128xf32, #tpu.memory_space<hbm>> -> memref<80x128xf32, #tpu.memory_space<hbm>>
      tpu.wait_dma2 semaphore(%run_scoped3A : memref<!tpu.dma_semaphore, #tpu.memory_space<semaphore_mem>>) src(%arg16 : memref<80x128xf32, #tpu.memory_space<vmem>>) dst(%dma_wait3A_253 : memref<80x128xf32, #tpu.memory_space<hbm>>)
      tpu.yield
    }) : () -> ()
    "tpu.region"() ({
      %run_scoped3A = tpu.sem_alloc : memref<!tpu.dma_semaphore, #tpu.memory_space<semaphore_mem>>
      %dma_start3A_246 = arith.constant 0 : i32
      %dma_start3A_247 = tpu.memref_slice %arg11[%multiple_of3A_219, %dma_start3A_246] : memref<10240x16xf32, #tpu.memory_space<vmem_shared>> -> memref<80x16xf32, #tpu.memory_space<vmem_shared>>
      %dma_start3A_248 = arith.constant 0 : i32
      %dma_start3A_249 = tpu.memref_slice %arg11[%multiple_of3A_219, %dma_start3A_248] : memref<10240x16xf32, #tpu.memory_space<vmem_shared>> -> memref<80x16xf32, #tpu.memory_space<vmem_shared>>
      tpu.enqueue_dma source(%dma_start3A_249 : memref<80x16xf32, #tpu.memory_space<vmem_shared>>) target(%arg18 : memref<80x16xf32, #tpu.memory_space<vmem>>) target_semaphore(%run_scoped3A : memref<!tpu.dma_semaphore, #tpu.memory_space<semaphore_mem>>)
      %dma_wait3A_250 = arith.constant 0 : i32
      %dma_wait3A_251 = tpu.memref_slice %arg11[%multiple_of3A_219, %dma_wait3A_250] : memref<10240x16xf32, #tpu.memory_space<vmem_shared>> -> memref<80x16xf32, #tpu.memory_space<vmem_shared>>
      %dma_wait3A_252 = arith.constant 0 : i32
      %dma_wait3A_253 = tpu.memref_slice %arg11[%multiple_of3A_219, %dma_wait3A_252] : memref<10240x16xf32, #tpu.memory_space<vmem_shared>> -> memref<80x16xf32, #tpu.memory_space<vmem_shared>>
      tpu.wait_dma2 semaphore(%run_scoped3A : memref<!tpu.dma_semaphore, #tpu.memory_space<semaphore_mem>>) src(%dma_wait3A_253 : memref<80x16xf32, #tpu.memory_space<vmem_shared>>) dst(%arg18 : memref<80x16xf32, #tpu.memory_space<vmem>>)
      tpu.yield
    }) : () -> ()
    "tpu.region"() ({
      %run_scoped3A = tpu.sem_alloc : memref<!tpu.dma_semaphore, #tpu.memory_space<semaphore_mem>>
      %dma_start3A_246 = arith.constant 0 : i32
      %dma_start3A_247 = tpu.memref_slice %arg9[%multiple_of3A_223, %dma_start3A_246] : memref<20480x16xf32, #tpu.memory_space<hbm>> -> memref<80x16xf32, #tpu.memory_space<hbm>>
      %dma_start3A_248 = arith.constant 0 : i32
      %dma_start3A_249 = tpu.memref_slice %arg9[%multiple_of3A_223, %dma_start3A_248] : memref<20480x16xf32, #tpu.memory_space<hbm>> -> memref<80x16xf32, #tpu.memory_space<hbm>>
      tpu.enqueue_dma source(%arg18 : memref<80x16xf32, #tpu.memory_space<vmem>>) target(%dma_start3A_249 : memref<80x16xf32, #tpu.memory_space<hbm>>) target_semaphore(%run_scoped3A : memref<!tpu.dma_semaphore, #tpu.memory_space<semaphore_mem>>)
      %dma_wait3A_250 = arith.constant 0 : i32
      %dma_wait3A_251 = tpu.memref_slice %arg9[%multiple_of3A_223, %dma_wait3A_250] : memref<20480x16xf32, #tpu.memory_space<hbm>> -> memref<80x16xf32, #tpu.memory_space<hbm>>
      %dma_wait3A_252 = arith.constant 0 : i32
      %dma_wait3A_253 = tpu.memref_slice %arg9[%multiple_of3A_223, %dma_wait3A_252] : memref<20480x16xf32, #tpu.memory_space<hbm>> -> memref<80x16xf32, #tpu.memory_space<hbm>>
      tpu.wait_dma2 semaphore(%run_scoped3A : memref<!tpu.dma_semaphore, #tpu.memory_space<semaphore_mem>>) src(%arg18 : memref<80x16xf32, #tpu.memory_space<vmem>>) dst(%dma_wait3A_253 : memref<80x16xf32, #tpu.memory_space<hbm>>)
      tpu.yield
    }) : () -> ()
    %mul3A_224 = arith.constant 8 : i32
    %mul3A_225 = arith.muli %arg1, %mul3A_224 : i32
    %add3A_226 = arith.constant 6 : i32
    %add3A_227 = arith.addi %mul3A_225, %add3A_226 : i32
    %mul3A_228 = arith.constant 80 : i32
    %mul3A_229 = arith.muli %add3A_227, %mul3A_228 : i32
    %multiple_of3A_230 = tpu.assume_multiple %mul3A_229, 80 : i32
    %mul3A_231 = arith.constant 10240 : i32
    %mul3A_232 = arith.muli %arg0, %mul3A_231 : i32
    %add3A_233 = arith.addi %mul3A_232, %multiple_of3A_230 : i32
    %multiple_of3A_234 = tpu.assume_multiple %add3A_233, 80 : i32
    "tpu.region"() ({
      %run_scoped3A = tpu.sem_alloc : memref<!tpu.dma_semaphore, #tpu.memory_space<semaphore_mem>>
      %dma_start3A_246 = arith.constant 0 : i32
      %dma_start3A_247 = tpu.memref_slice %arg10[%multiple_of3A_230, %dma_start3A_246] : memref<10240x128xf32, #tpu.memory_space<vmem_shared>> -> memref<80x128xf32, #tpu.memory_space<vmem_shared>>
      %dma_start3A_248 = arith.constant 0 : i32
      %dma_start3A_249 = tpu.memref_slice %arg10[%multiple_of3A_230, %dma_start3A_248] : memref<10240x128xf32, #tpu.memory_space<vmem_shared>> -> memref<80x128xf32, #tpu.memory_space<vmem_shared>>
      tpu.enqueue_dma source(%dma_start3A_249 : memref<80x128xf32, #tpu.memory_space<vmem_shared>>) target(%arg16 : memref<80x128xf32, #tpu.memory_space<vmem>>) target_semaphore(%run_scoped3A : memref<!tpu.dma_semaphore, #tpu.memory_space<semaphore_mem>>)
      %dma_wait3A_250 = arith.constant 0 : i32
      %dma_wait3A_251 = tpu.memref_slice %arg10[%multiple_of3A_230, %dma_wait3A_250] : memref<10240x128xf32, #tpu.memory_space<vmem_shared>> -> memref<80x128xf32, #tpu.memory_space<vmem_shared>>
      %dma_wait3A_252 = arith.constant 0 : i32
      %dma_wait3A_253 = tpu.memref_slice %arg10[%multiple_of3A_230, %dma_wait3A_252] : memref<10240x128xf32, #tpu.memory_space<vmem_shared>> -> memref<80x128xf32, #tpu.memory_space<vmem_shared>>
      tpu.wait_dma2 semaphore(%run_scoped3A : memref<!tpu.dma_semaphore, #tpu.memory_space<semaphore_mem>>) src(%dma_wait3A_253 : memref<80x128xf32, #tpu.memory_space<vmem_shared>>) dst(%arg16 : memref<80x128xf32, #tpu.memory_space<vmem>>)
      tpu.yield
    }) : () -> ()
    "tpu.region"() ({
      %run_scoped3A = tpu.sem_alloc : memref<!tpu.dma_semaphore, #tpu.memory_space<semaphore_mem>>
      %dma_start3A_246 = arith.constant 0 : i32
      %dma_start3A_247 = tpu.memref_slice %arg8[%multiple_of3A_234, %dma_start3A_246] : memref<20480x128xf32, #tpu.memory_space<hbm>> -> memref<80x128xf32, #tpu.memory_space<hbm>>
      %dma_start3A_248 = arith.constant 0 : i32
      %dma_start3A_249 = tpu.memref_slice %arg8[%multiple_of3A_234, %dma_start3A_248] : memref<20480x128xf32, #tpu.memory_space<hbm>> -> memref<80x128xf32, #tpu.memory_space<hbm>>
      tpu.enqueue_dma source(%arg16 : memref<80x128xf32, #tpu.memory_space<vmem>>) target(%dma_start3A_249 : memref<80x128xf32, #tpu.memory_space<hbm>>) target_semaphore(%run_scoped3A : memref<!tpu.dma_semaphore, #tpu.memory_space<semaphore_mem>>)
      %dma_wait3A_250 = arith.constant 0 : i32
      %dma_wait3A_251 = tpu.memref_slice %arg8[%multiple_of3A_234, %dma_wait3A_250] : memref<20480x128xf32, #tpu.memory_space<hbm>> -> memref<80x128xf32, #tpu.memory_space<hbm>>
      %dma_wait3A_252 = arith.constant 0 : i32
      %dma_wait3A_253 = tpu.memref_slice %arg8[%multiple_of3A_234, %dma_wait3A_252] : memref<20480x128xf32, #tpu.memory_space<hbm>> -> memref<80x128xf32, #tpu.memory_space<hbm>>
      tpu.wait_dma2 semaphore(%run_scoped3A : memref<!tpu.dma_semaphore, #tpu.memory_space<semaphore_mem>>) src(%arg16 : memref<80x128xf32, #tpu.memory_space<vmem>>) dst(%dma_wait3A_253 : memref<80x128xf32, #tpu.memory_space<hbm>>)
      tpu.yield
    }) : () -> ()
    "tpu.region"() ({
      %run_scoped3A = tpu.sem_alloc : memref<!tpu.dma_semaphore, #tpu.memory_space<semaphore_mem>>
      %dma_start3A_246 = arith.constant 0 : i32
      %dma_start3A_247 = tpu.memref_slice %arg11[%multiple_of3A_230, %dma_start3A_246] : memref<10240x16xf32, #tpu.memory_space<vmem_shared>> -> memref<80x16xf32, #tpu.memory_space<vmem_shared>>
      %dma_start3A_248 = arith.constant 0 : i32
      %dma_start3A_249 = tpu.memref_slice %arg11[%multiple_of3A_230, %dma_start3A_248] : memref<10240x16xf32, #tpu.memory_space<vmem_shared>> -> memref<80x16xf32, #tpu.memory_space<vmem_shared>>
      tpu.enqueue_dma source(%dma_start3A_249 : memref<80x16xf32, #tpu.memory_space<vmem_shared>>) target(%arg18 : memref<80x16xf32, #tpu.memory_space<vmem>>) target_semaphore(%run_scoped3A : memref<!tpu.dma_semaphore, #tpu.memory_space<semaphore_mem>>)
      %dma_wait3A_250 = arith.constant 0 : i32
      %dma_wait3A_251 = tpu.memref_slice %arg11[%multiple_of3A_230, %dma_wait3A_250] : memref<10240x16xf32, #tpu.memory_space<vmem_shared>> -> memref<80x16xf32, #tpu.memory_space<vmem_shared>>
      %dma_wait3A_252 = arith.constant 0 : i32
      %dma_wait3A_253 = tpu.memref_slice %arg11[%multiple_of3A_230, %dma_wait3A_252] : memref<10240x16xf32, #tpu.memory_space<vmem_shared>> -> memref<80x16xf32, #tpu.memory_space<vmem_shared>>
      tpu.wait_dma2 semaphore(%run_scoped3A : memref<!tpu.dma_semaphore, #tpu.memory_space<semaphore_mem>>) src(%dma_wait3A_253 : memref<80x16xf32, #tpu.memory_space<vmem_shared>>) dst(%arg18 : memref<80x16xf32, #tpu.memory_space<vmem>>)
      tpu.yield
    }) : () -> ()
    "tpu.region"() ({
      %run_scoped3A = tpu.sem_alloc : memref<!tpu.dma_semaphore, #tpu.memory_space<semaphore_mem>>
      %dma_start3A_246 = arith.constant 0 : i32
      %dma_start3A_247 = tpu.memref_slice %arg9[%multiple_of3A_234, %dma_start3A_246] : memref<20480x16xf32, #tpu.memory_space<hbm>> -> memref<80x16xf32, #tpu.memory_space<hbm>>
      %dma_start3A_248 = arith.constant 0 : i32
      %dma_start3A_249 = tpu.memref_slice %arg9[%multiple_of3A_234, %dma_start3A_248] : memref<20480x16xf32, #tpu.memory_space<hbm>> -> memref<80x16xf32, #tpu.memory_space<hbm>>
      tpu.enqueue_dma source(%arg18 : memref<80x16xf32, #tpu.memory_space<vmem>>) target(%dma_start3A_249 : memref<80x16xf32, #tpu.memory_space<hbm>>) target_semaphore(%run_scoped3A : memref<!tpu.dma_semaphore, #tpu.memory_space<semaphore_mem>>)
      %dma_wait3A_250 = arith.constant 0 : i32
      %dma_wait3A_251 = tpu.memref_slice %arg9[%multiple_of3A_234, %dma_wait3A_250] : memref<20480x16xf32, #tpu.memory_space<hbm>> -> memref<80x16xf32, #tpu.memory_space<hbm>>
      %dma_wait3A_252 = arith.constant 0 : i32
      %dma_wait3A_253 = tpu.memref_slice %arg9[%multiple_of3A_234, %dma_wait3A_252] : memref<20480x16xf32, #tpu.memory_space<hbm>> -> memref<80x16xf32, #tpu.memory_space<hbm>>
      tpu.wait_dma2 semaphore(%run_scoped3A : memref<!tpu.dma_semaphore, #tpu.memory_space<semaphore_mem>>) src(%arg18 : memref<80x16xf32, #tpu.memory_space<vmem>>) dst(%dma_wait3A_253 : memref<80x16xf32, #tpu.memory_space<hbm>>)
      tpu.yield
    }) : () -> ()
    %mul3A_235 = arith.constant 8 : i32
    %mul3A_236 = arith.muli %arg1, %mul3A_235 : i32
    %add3A_237 = arith.constant 7 : i32
    %add3A_238 = arith.addi %mul3A_236, %add3A_237 : i32
    %mul3A_239 = arith.constant 80 : i32
    %mul3A_240 = arith.muli %add3A_238, %mul3A_239 : i32
    %multiple_of3A_241 = tpu.assume_multiple %mul3A_240, 80 : i32
    %mul3A_242 = arith.constant 10240 : i32
    %mul3A_243 = arith.muli %arg0, %mul3A_242 : i32
    %add3A_244 = arith.addi %mul3A_243, %multiple_of3A_241 : i32
    %multiple_of3A_245 = tpu.assume_multiple %add3A_244, 80 : i32
    "tpu.region"() ({
      %run_scoped3A = tpu.sem_alloc : memref<!tpu.dma_semaphore, #tpu.memory_space<semaphore_mem>>
      %dma_start3A_246 = arith.constant 0 : i32
      %dma_start3A_247 = tpu.memref_slice %arg10[%multiple_of3A_241, %dma_start3A_246] : memref<10240x128xf32, #tpu.memory_space<vmem_shared>> -> memref<80x128xf32, #tpu.memory_space<vmem_shared>>
      %dma_start3A_248 = arith.constant 0 : i32
      %dma_start3A_249 = tpu.memref_slice %arg10[%multiple_of3A_241, %dma_start3A_248] : memref<10240x128xf32, #tpu.memory_space<vmem_shared>> -> memref<80x128xf32, #tpu.memory_space<vmem_shared>>
      tpu.enqueue_dma source(%dma_start3A_249 : memref<80x128xf32, #tpu.memory_space<vmem_shared>>) target(%arg16 : memref<80x128xf32, #tpu.memory_space<vmem>>) target_semaphore(%run_scoped3A : memref<!tpu.dma_semaphore, #tpu.memory_space<semaphore_mem>>)
      %dma_wait3A_250 = arith.constant 0 : i32
      %dma_wait3A_251 = tpu.memref_slice %arg10[%multiple_of3A_241, %dma_wait3A_250] : memref<10240x128xf32, #tpu.memory_space<vmem_shared>> -> memref<80x128xf32, #tpu.memory_space<vmem_shared>>
      %dma_wait3A_252 = arith.constant 0 : i32
      %dma_wait3A_253 = tpu.memref_slice %arg10[%multiple_of3A_241, %dma_wait3A_252] : memref<10240x128xf32, #tpu.memory_space<vmem_shared>> -> memref<80x128xf32, #tpu.memory_space<vmem_shared>>
      tpu.wait_dma2 semaphore(%run_scoped3A : memref<!tpu.dma_semaphore, #tpu.memory_space<semaphore_mem>>) src(%dma_wait3A_253 : memref<80x128xf32, #tpu.memory_space<vmem_shared>>) dst(%arg16 : memref<80x128xf32, #tpu.memory_space<vmem>>)
      tpu.yield
    }) : () -> ()
    "tpu.region"() ({
      %run_scoped3A = tpu.sem_alloc : memref<!tpu.dma_semaphore, #tpu.memory_space<semaphore_mem>>
      %dma_start3A_246 = arith.constant 0 : i32
      %dma_start3A_247 = tpu.memref_slice %arg8[%multiple_of3A_245, %dma_start3A_246] : memref<20480x128xf32, #tpu.memory_space<hbm>> -> memref<80x128xf32, #tpu.memory_space<hbm>>
      %dma_start3A_248 = arith.constant 0 : i32
      %dma_start3A_249 = tpu.memref_slice %arg8[%multiple_of3A_245, %dma_start3A_248] : memref<20480x128xf32, #tpu.memory_space<hbm>> -> memref<80x128xf32, #tpu.memory_space<hbm>>
      tpu.enqueue_dma source(%arg16 : memref<80x128xf32, #tpu.memory_space<vmem>>) target(%dma_start3A_249 : memref<80x128xf32, #tpu.memory_space<hbm>>) target_semaphore(%run_scoped3A : memref<!tpu.dma_semaphore, #tpu.memory_space<semaphore_mem>>)
      %dma_wait3A_250 = arith.constant 0 : i32
      %dma_wait3A_251 = tpu.memref_slice %arg8[%multiple_of3A_245, %dma_wait3A_250] : memref<20480x128xf32, #tpu.memory_space<hbm>> -> memref<80x128xf32, #tpu.memory_space<hbm>>
      %dma_wait3A_252 = arith.constant 0 : i32
      %dma_wait3A_253 = tpu.memref_slice %arg8[%multiple_of3A_245, %dma_wait3A_252] : memref<20480x128xf32, #tpu.memory_space<hbm>> -> memref<80x128xf32, #tpu.memory_space<hbm>>
      tpu.wait_dma2 semaphore(%run_scoped3A : memref<!tpu.dma_semaphore, #tpu.memory_space<semaphore_mem>>) src(%arg16 : memref<80x128xf32, #tpu.memory_space<vmem>>) dst(%dma_wait3A_253 : memref<80x128xf32, #tpu.memory_space<hbm>>)
      tpu.yield
    }) : () -> ()
    "tpu.region"() ({
      %run_scoped3A = tpu.sem_alloc : memref<!tpu.dma_semaphore, #tpu.memory_space<semaphore_mem>>
      %dma_start3A_246 = arith.constant 0 : i32
      %dma_start3A_247 = tpu.memref_slice %arg11[%multiple_of3A_241, %dma_start3A_246] : memref<10240x16xf32, #tpu.memory_space<vmem_shared>> -> memref<80x16xf32, #tpu.memory_space<vmem_shared>>
      %dma_start3A_248 = arith.constant 0 : i32
      %dma_start3A_249 = tpu.memref_slice %arg11[%multiple_of3A_241, %dma_start3A_248] : memref<10240x16xf32, #tpu.memory_space<vmem_shared>> -> memref<80x16xf32, #tpu.memory_space<vmem_shared>>
      tpu.enqueue_dma source(%dma_start3A_249 : memref<80x16xf32, #tpu.memory_space<vmem_shared>>) target(%arg18 : memref<80x16xf32, #tpu.memory_space<vmem>>) target_semaphore(%run_scoped3A : memref<!tpu.dma_semaphore, #tpu.memory_space<semaphore_mem>>)
      %dma_wait3A_250 = arith.constant 0 : i32
      %dma_wait3A_251 = tpu.memref_slice %arg11[%multiple_of3A_241, %dma_wait3A_250] : memref<10240x16xf32, #tpu.memory_space<vmem_shared>> -> memref<80x16xf32, #tpu.memory_space<vmem_shared>>
      %dma_wait3A_252 = arith.constant 0 : i32
      %dma_wait3A_253 = tpu.memref_slice %arg11[%multiple_of3A_241, %dma_wait3A_252] : memref<10240x16xf32, #tpu.memory_space<vmem_shared>> -> memref<80x16xf32, #tpu.memory_space<vmem_shared>>
      tpu.wait_dma2 semaphore(%run_scoped3A : memref<!tpu.dma_semaphore, #tpu.memory_space<semaphore_mem>>) src(%dma_wait3A_253 : memref<80x16xf32, #tpu.memory_space<vmem_shared>>) dst(%arg18 : memref<80x16xf32, #tpu.memory_space<vmem>>)
      tpu.yield
    }) : () -> ()
    "tpu.region"() ({
      %run_scoped3A = tpu.sem_alloc : memref<!tpu.dma_semaphore, #tpu.memory_space<semaphore_mem>>
      %dma_start3A_246 = arith.constant 0 : i32
      %dma_start3A_247 = tpu.memref_slice %arg9[%multiple_of3A_245, %dma_start3A_246] : memref<20480x16xf32, #tpu.memory_space<hbm>> -> memref<80x16xf32, #tpu.memory_space<hbm>>
      %dma_start3A_248 = arith.constant 0 : i32
      %dma_start3A_249 = tpu.memref_slice %arg9[%multiple_of3A_245, %dma_start3A_248] : memref<20480x16xf32, #tpu.memory_space<hbm>> -> memref<80x16xf32, #tpu.memory_space<hbm>>
      tpu.enqueue_dma source(%arg18 : memref<80x16xf32, #tpu.memory_space<vmem>>) target(%dma_start3A_249 : memref<80x16xf32, #tpu.memory_space<hbm>>) target_semaphore(%run_scoped3A : memref<!tpu.dma_semaphore, #tpu.memory_space<semaphore_mem>>)
      %dma_wait3A_250 = arith.constant 0 : i32
      %dma_wait3A_251 = tpu.memref_slice %arg9[%multiple_of3A_245, %dma_wait3A_250] : memref<20480x16xf32, #tpu.memory_space<hbm>> -> memref<80x16xf32, #tpu.memory_space<hbm>>
      %dma_wait3A_252 = arith.constant 0 : i32
      %dma_wait3A_253 = tpu.memref_slice %arg9[%multiple_of3A_245, %dma_wait3A_252] : memref<20480x16xf32, #tpu.memory_space<hbm>> -> memref<80x16xf32, #tpu.memory_space<hbm>>
      tpu.wait_dma2 semaphore(%run_scoped3A : memref<!tpu.dma_semaphore, #tpu.memory_space<semaphore_mem>>) src(%arg18 : memref<80x16xf32, #tpu.memory_space<vmem>>) dst(%dma_wait3A_253 : memref<80x16xf32, #tpu.memory_space<hbm>>)
      tpu.yield
    }) : () -> ()
    return
  }
}

module attributes {stable_mosaic.version = 14 : i64} {
  func.func @body(%arg0: i32, %arg1: memref<10000x128xf32, #tpu.memory_space<vmem>>, %arg2: memref<128x128xf32, #tpu.memory_space<vmem>>, %arg3: memref<10000x128xf32, #tpu.memory_space<vmem>>) attributes {dimension_semantics = [#tpu.dimension_semantics<arbitrary>], iteration_bounds = array<i64: 1>, scalar_prefetch = 0 : i64, scratch_operands = 0 : i64, tpu.core_type = #tpu.core_type<tc>, window_params = [{transform_indices = @transform_0, window_bounds = array<i64: 10000, 128>}, {pipeline_mode = #tpu.pipeline_mode<synchronous>, transform_indices = @transform_1, window_bounds = array<i64: 128, 128>}, {transform_indices = @transform_2, window_bounds = array<i64: 10000, 128>}]} {
    %get3A = arith.constant 0 : index
    %get3A_0 = arith.constant 0 : index
    %get3A_1 = vector.load %arg1[%get3A, %get3A_0] : memref<10000x128xf32, #tpu.memory_space<vmem>>, vector<10000x128xf32>
    %get3A_2 = arith.constant 0 : index
    %get3A_3 = arith.constant 0 : index
    %get3A_4 = vector.load %arg2[%get3A_2, %get3A_3] : memref<128x128xf32, #tpu.memory_space<vmem>>, vector<128x128xf32>
    %dot_general3A = arith.constant dense<0.000000e+00> : vector<10000x128xf32>
    %dot_general3A_5 = tpu.matmul %get3A_1, %get3A_4, %dot_general3A {dimension_numbers = #tpu.dot_dimension_numbers<[1], [0], [0], [1], [0, 0, 1, 1], [], []>, transpose_lhs_hint = false} : vector<10000x128xf32>, vector<128x128xf32>, vector<10000x128xf32> -> vector<10000x128xf32>
    %swap3A = arith.constant 0 : index
    %swap3A_6 = arith.constant 0 : index
    %swap3A_7 = vector.load %arg3[%swap3A, %swap3A_6] : memref<10000x128xf32, #tpu.memory_space<vmem>>, vector<10000x128xf32>
    tpu.vector_store %arg3[%swap3A, %swap3A_6], %dot_general3A_5 {strides = array<i32>} : memref<10000x128xf32, #tpu.memory_space<vmem>>, vector<10000x128xf32>,
    return
  }
  func.func @transform_0(%arg0: i32) -> (i32, i32) {
    %c0_i32 = arith.constant 0 : i32
    %c0_i32_0 = arith.constant 0 : i32
    return %arg0, %c0_i32 : i32, i32
  }
  func.func @transform_1(%arg0: i32) -> (i32, i32) {
    %c0_i32 = arith.constant 0 : i32
    %c0_i32_0 = arith.constant 0 : i32
    %c0_i32_1 = arith.constant 0 : i32
    return %c0_i32, %c0_i32_0 : i32, i32
  }
  func.func @transform_2(%arg0: i32) -> (i32, i32) {
    %c0_i32 = arith.constant 0 : i32
    %c0_i32_0 = arith.constant 0 : i32
    return %arg0, %c0_i32 : i32, i32
  }
}

module attributes {stable_mosaic.version = 14 : i64} {
  func.func @body(%arg0: i32, %arg1: memref<10000x128xf32, #tpu.memory_space<vmem>>, %arg2: memref<10000x128xf32, #tpu.memory_space<vmem>>, %arg3: memref<10000x128xf32, #tpu.memory_space<vmem>>, %arg4: memref<10000x16xf32, #tpu.memory_space<vmem>>, %arg5: memref<10000x16xf32, #tpu.memory_space<vmem>>, %arg6: memref<128x128xf32, #tpu.memory_space<vmem>>, %arg7: memref<16x128xf32, #tpu.memory_space<vmem>>, %arg8: memref<1x128xf32, #tpu.memory_space<vmem>>, %arg9: memref<10000x128xf32, #tpu.memory_space<vmem>>) attributes {dimension_semantics = [#tpu.dimension_semantics<arbitrary>], iteration_bounds = array<i64: 1>, scalar_prefetch = 0 : i64, scratch_operands = 0 : i64, tpu.core_type = #tpu.core_type<tc>, window_params = [{transform_indices = @transform_0, window_bounds = array<i64: 10000, 128>}, {transform_indices = @transform_1, window_bounds = array<i64: 10000, 128>}, {transform_indices = @transform_2, window_bounds = array<i64: 10000, 128>}, {transform_indices = @transform_3, window_bounds = array<i64: 10000, 16>}, {transform_indices = @transform_4, window_bounds = array<i64: 10000, 16>}, {pipeline_mode = #tpu.pipeline_mode<synchronous>, transform_indices = @transform_5, window_bounds = array<i64: 128, 128>}, {pipeline_mode = #tpu.pipeline_mode<synchronous>, transform_indices = @transform_6, window_bounds = array<i64: 16, 128>}, {pipeline_mode = #tpu.pipeline_mode<synchronous>, transform_indices = @transform_7, window_bounds = array<i64: 1, 128>}, {transform_indices = @transform_8, window_bounds = array<i64: 10000, 128>}]} {
    %get3A = arith.constant 0 : index
    %get3A_0 = arith.constant 0 : index
    %get3A_1 = vector.load %arg1[%get3A, %get3A_0] : memref<10000x128xf32, #tpu.memory_space<vmem>>, vector<10000x128xf32>
    %get3A_2 = arith.constant 0 : index
    %get3A_3 = arith.constant 0 : index
    %get3A_4 = vector.load %arg6[%get3A_2, %get3A_3] : memref<128x128xf32, #tpu.memory_space<vmem>>, vector<128x128xf32>
    %dot_general3A = arith.constant dense<0.000000e+00> : vector<10000x128xf32>
    %dot_general3A_5 = tpu.matmul %get3A_1, %get3A_4, %dot_general3A {dimension_numbers = #tpu.dot_dimension_numbers<[1], [0], [0], [1], [0, 0, 1, 1], [], []>, transpose_lhs_hint = false} : vector<10000x128xf32>, vector<128x128xf32>, vector<10000x128xf32> -> vector<10000x128xf32>
    %get3A_6 = arith.constant 0 : index
    %get3A_7 = arith.constant 0 : index
    %get3A_8 = vector.load %arg4[%get3A_6, %get3A_7] : memref<10000x16xf32, #tpu.memory_space<vmem>>, vector<10000x16xf32>
    %get3A_9 = arith.constant 0 : index
    %get3A_10 = arith.constant 0 : index
    %get3A_11 = vector.load %arg5[%get3A_9, %get3A_10] : memref<10000x16xf32, #tpu.memory_space<vmem>>, vector<10000x16xf32>
    %add3A = arith.addf %get3A_8, %get3A_11 : vector<10000x16xf32>
    %get3A_12 = arith.constant 0 : index
    %get3A_13 = arith.constant 0 : index
    %get3A_14 = vector.load %arg7[%get3A_12, %get3A_13] : memref<16x128xf32, #tpu.memory_space<vmem>>, vector<16x128xf32>
    %dot_general3A_15 = arith.constant dense<0.000000e+00> : vector<10000x128xf32>
    %dot_general3A_16 = tpu.matmul %add3A, %get3A_14, %dot_general3A_15 {dimension_numbers = #tpu.dot_dimension_numbers<[1], [0], [0], [1], [0, 0, 1, 1], [], []>, transpose_lhs_hint = false} : vector<10000x16xf32>, vector<16x128xf32>, vector<10000x128xf32> -> vector<10000x128xf32>
    %add3A_17 = arith.addf %dot_general3A_5, %dot_general3A_16 : vector<10000x128xf32>
    %get3A_18 = arith.constant 0 : index
    %get3A_19 = arith.constant 0 : index
    %get3A_20 = vector.load %arg2[%get3A_18, %get3A_19] : memref<10000x128xf32, #tpu.memory_space<vmem>>, vector<10000x128xf32>
    %add3A_21 = arith.addf %add3A_17, %get3A_20 : vector<10000x128xf32>
    %get3A_22 = arith.constant 0 : index
    %get3A_23 = arith.constant 0 : index
    %get3A_24 = vector.load %arg3[%get3A_22, %get3A_23] : memref<10000x128xf32, #tpu.memory_space<vmem>>, vector<10000x128xf32>
    %add3A_25 = arith.addf %add3A_21, %get3A_24 : vector<10000x128xf32>
    %get3A_26 = arith.constant 0 : index
    %get3A_27 = arith.constant 0 : index
    %get3A_28 = vector.load %arg8[%get3A_26, %get3A_27] : memref<1x128xf32, #tpu.memory_space<vmem>>, vector<1x128xf32>
    %add3A_29 = vector.broadcast %get3A_28 : vector<1x128xf32> to vector<10000x128xf32>
    %add3A_30 = arith.addf %add3A_25, %add3A_29 : vector<10000x128xf32>
    %swap3A = arith.constant 0 : index
    %swap3A_31 = arith.constant 0 : index
    %swap3A_32 = vector.load %arg9[%swap3A, %swap3A_31] : memref<10000x128xf32, #tpu.memory_space<vmem>>, vector<10000x128xf32>
    tpu.vector_store %arg9[%swap3A, %swap3A_31], %add3A_30 {strides = array<i32>} : memref<10000x128xf32, #tpu.memory_space<vmem>>, vector<10000x128xf32>,
    return
  }
  func.func @transform_0(%arg0: i32) -> (i32, i32) {
    %c0_i32 = arith.constant 0 : i32
    %c0_i32_0 = arith.constant 0 : i32
    return %arg0, %c0_i32 : i32, i32
  }
  func.func @transform_1(%arg0: i32) -> (i32, i32) {
    %c0_i32 = arith.constant 0 : i32
    %c0_i32_0 = arith.constant 0 : i32
    return %arg0, %c0_i32 : i32, i32
  }
  func.func @transform_2(%arg0: i32) -> (i32, i32) {
    %c0_i32 = arith.constant 0 : i32
    %c0_i32_0 = arith.constant 0 : i32
    return %arg0, %c0_i32 : i32, i32
  }
  func.func @transform_3(%arg0: i32) -> (i32, i32) {
    %c0_i32 = arith.constant 0 : i32
    %c0_i32_0 = arith.constant 0 : i32
    return %arg0, %c0_i32 : i32, i32
  }
  func.func @transform_4(%arg0: i32) -> (i32, i32) {
    %c0_i32 = arith.constant 0 : i32
    %c0_i32_0 = arith.constant 0 : i32
    return %arg0, %c0_i32 : i32, i32
  }
  func.func @transform_5(%arg0: i32) -> (i32, i32) {
    %c0_i32 = arith.constant 0 : i32
    %c0_i32_0 = arith.constant 0 : i32
    %c0_i32_1 = arith.constant 0 : i32
    return %c0_i32, %c0_i32_0 : i32, i32
  }
  func.func @transform_6(%arg0: i32) -> (i32, i32) {
    %c0_i32 = arith.constant 0 : i32
    %c0_i32_0 = arith.constant 0 : i32
    %c0_i32_1 = arith.constant 0 : i32
    return %c0_i32, %c0_i32_0 : i32, i32
  }
  func.func @transform_7(%arg0: i32) -> (i32, i32) {
    %c0_i32 = arith.constant 0 : i32
    %c0_i32_0 = arith.constant 0 : i32
    %c0_i32_1 = arith.constant 0 : i32
    return %c0_i32, %c0_i32_0 : i32, i32
  }
  func.func @transform_8(%arg0: i32) -> (i32, i32) {
    %c0_i32 = arith.constant 0 : i32
    %c0_i32_0 = arith.constant 0 : i32
    return %arg0, %c0_i32 : i32, i32
  }
}

</mosaic_0001>

<sc_bundles>
// kernel: kernel.5.cloned.1.call-start
scs
__scs_entry_jumppad:
0x0: {  	(pc) =	sbr.rel $0x88, $3  }
0x1: {  	(tag) =	ssettag $0x0;
	lr =	simm.s32 $0x1  }
0x2: {  	[smem:$0x3F9C] =	sst lr;
	_ =	strace $0xD0000000  }
0x3: {  	_ = 	snop  }
0x4: {  	_ = 	snop  }
0x5: {  	_ = 	snop  }
0x6: {  	_ = 	snop  }
0x7: {  	_ = 	snop  }
__scs_overlays_trampoline_lowered:
0x8: {  	[smem:$0x3FAB] =	sst s0  }
0x9: {  	[smem:$0x3FAC] =	sst s1  }
0xa: {  	[smem:$0x3FAD] =	sst s2  }
0xb: {  	[smem:$0x3FAE] =	sst s3  }
0xc: {  	[smem:$0x3FAF] =	sst s4  }
0xd: {  	[smem:$0x3FB0] =	sst s5  }
0xe: {  	[smem:$0x3FB1] =	sst s6  }
0xf: {  	[smem:$0x3FB2] =	sst s7  }
0x10: {  	[smem:$0x3FB3] =	sst s8  }
0x11: {  	[smem:$0x3FB4] =	sst s9;
	s0 =	simm.s32 @!p0 $0x0  }
0x12: {  	s1 =	sld [smem:$0x3F9A];
	s0 =	simm.s32 @p0 $0x1  }
0x13: {  	[smem:$0x3FB5] =	sst s0;
	s0 =	simm.s32 @!p1 $0x0  }
0x14: {  	s2 =	sld [smem:$0x3F99];
	s0 =	simm.s32 @p1 $0x1  }
0x15: {  	[smem:$0x3FB6] =	sst s0;
	s0 =	simm.s32 @!p2 $0x0  }
0x16: {  	s3 =	sld [smem:$0x3FDB];
	s0 =	simm.s32 @p2 $0x1  }
0x17: {  	s4 =	simm.s32 $0x1BF5;
	[smem:$0x3FB8] =	sst s0  }
0x18: {  	s0 =	sld [smem:$0x3F9B];
	_ =	swait.ge [sflag:s4], $0x0  }
0x19: {  	s7 =	sld [smem:$0x3F9C]  }
0x1a: {  	s8 =	sadd.s32 $0xFFFFE003, lr  }
0x1b: {  	s9 =	sadd.s32 $0xFFFFFEF7, lr;
	s5 =	simm.s32 $0xFFFFFFFF;
	p2 =	slt.u32 s8, $0xFFFFF086  }
0x1c: {  	p1 =	slt.u32 s9, $0xF7A;
	s5 =	simm.s32 @!p2 $0x0  }
0x1d: {  	s5 =	simm.s32 @p1 $0x1;
	p0 =	seq.s32 s7, s2  }
0x1e: {  	s7 =	smul.u32 @!p0 $0xF7A, s2;
	p2 =	seq.s32 @!p0 s5, $0x0  }
0x1f: {  	s9 =	smul.u32 $0xF7A, s1;
	s8 =	simm.s32 @!p0 $0x1BF5;
	p2 =	por !p2, p0  }
0x20: {  	[sflag:s8] =	ssyncset.s32 @!p0 $0xFFFFF086;
	s6 =	sadd.s32 @!p0 s3, s7;
	s7 =	simm.s32 @!p0 $0x108  }
0x21: {  	s3 =	sadd.s32 s3, s9;
	s6 =	sadd.s32 @!p0 $0x88, s6;
	s7 =	simm.s32 @p2 $0x1082  }
0x22: {  	[simem:s7], [sflag:s8] =	dma.local @!p0 [hbm:s6], $0xF7A  }
0x23: {  	s9 =	sor.u32 $0xD0000000, s2;
	s6 =	simm.s32 $0x108;
	_ =	swait.ge @!p0 [sflag:s8], $0x0  }
0x24: {  	s3 =	sadd.s32 $0x88, s3;
	s6 =	simm.s32 @!p1 $0x1082;
	[sflag:s4] =	ssyncset.s32 $0xFFFFF086  }
0x25: {  	[simem:s6], [sflag:s4] =	dma.local [hbm:s3], $0xF7A  }
0x26: {  	[smem:$0x3F9C] =	sst s1;
	(tag) =	ssettag s2;
	_ =	strace s9  }
0x27: {  	s1 =	sld [smem:$0x3FAC]  }
0x28: {  	s2 =	sld [smem:$0x3FAD]  }
0x29: {  	s4 =	sld [smem:$0x3FAF]  }
0x2a: {  	p0 =	seq.s32 s5, $0x0;
	s5 =	sld [smem:$0x3FB0]  }
0x2b: {  	s6 =	sld [smem:$0x3FB1]  }
0x2c: {  	s7 =	sld [smem:$0x3FB2]  }
0x2d: {  	s3 =	simm.s32 $0x108;
	s8 =	sld [smem:$0x3FB3]  }
0x2e: {  	s3 =	simm.s32 @!p0 $0x1082;
	s9 =	sld [smem:$0x3FB4]  }
0x2f: {  	lr =	sadd.s32 s0, s3;
	s0 =	sld [smem:$0x3FAB]  }
0x30: {  	s3 =	sld [smem:$0x3FAE]  }
0x31: {  	[smem:$0x3FB7] =	sst s10  }
0x32: {  	s10 =	sld [smem:$0x3FB5];
	_ =	sdelay $0x3  }
0x33: {  	p0 =	seq.s32 s10, $0x1;
	s10 =	sld [smem:$0x3FB7];
	_ =	sdelay $0x3  }
0x34: {  	[smem:$0x3FB7] =	sst s10  }
0x35: {  	s10 =	sld [smem:$0x3FB6];
	_ =	sdelay $0x3  }
0x36: {  	p1 =	seq.s32 s10, $0x1;
	s10 =	sld [smem:$0x3FB7];
	_ =	sdelay $0x3  }
0x37: {  	[smem:$0x3FB7] =	sst s10  }
0x38: {  	s10 =	sld [smem:$0x3FB8]  }
0x39: {  	_ = 	snop;
	(pc) =	sbr.ind lr, $3  }
0x3a: {  	_ = 	snop  }
0x3b: {  	_ = 	snop  }
0x3c: {  	p2 =	seq.s32 s10, $0x1;
	s10 =	sld [smem:$0x3FB7]  }
0x3d: {  	_ =	shalt  }
0x3e: {  	_ =	shalt  }
0x3f: {  	_ =	shalt  }
0x40: {  	_ =	shalt  }
0x41: {  	_ =	shalt  }
0x42: {  	_ =	shalt  }
0x43: {  	_ =	shalt  }
0x44: {  	_ =	shalt  }
0x45: {  	_ =	shalt  }
0x46: {  	_ =	shalt  }
0x47: {  	_ =	shalt  }
0x48: {  	_ =	shalt  }
0x49: {  	_ =	shalt  }
0x4a: {  	_ =	shalt  }
0x4b: {  	_ =	shalt  }
0x4c: {  	_ =	shalt  }
0x4d: {  	_ =	shalt  }
0x4e: {  	_ =	shalt  }
0x4f: {  	_ =	shalt  }
0x50: {  	_ =	shalt  }
0x51: {  	_ =	shalt  }
0x52: {  	_ =	shalt  }
0x53: {  	_ =	shalt  }
0x54: {  	_ =	shalt  }
0x55: {  	_ =	shalt  }
0x56: {  	_ =	shalt  }
0x57: {  	_ =	shalt  }
0x58: {  	_ =	shalt  }
0x59: {  	_ =	shalt  }
0x5a: {  	_ =	shalt  }
0x5b: {  	_ =	shalt  }
0x5c: {  	_ =	shalt  }
0x5d: {  	_ =	shalt  }
0x5e: {  	_ =	shalt  }
0x5f: {  	_ =	shalt  }
0x60: {  	_ =	shalt  }
0x61: {  	_ =	shalt  }
0x62: {  	_ =	shalt  }
0x63: {  	_ =	shalt  }
0x64: {  	_ =	shalt  }
0x65: {  	_ =	shalt  }
0x66: {  	_ =	shalt  }
0x67: {  	_ =	shalt  }
0x68: {  	_ =	shalt  }
0x69: {  	_ =	shalt  }
0x6a: {  	_ =	shalt  }
0x6b: {  	_ =	shalt  }
0x6c: {  	_ =	shalt  }
0x6d: {  	_ =	shalt  }
0x6e: {  	_ =	shalt  }
0x6f: {  	_ =	shalt  }
0x70: {  	_ =	shalt  }
0x71: {  	_ =	shalt  }
0x72: {  	_ =	shalt  }
0x73: {  	_ =	shalt  }
0x74: {  	_ =	shalt  }
0x75: {  	_ =	shalt  }
0x76: {  	_ =	shalt  }
0x77: {  	_ =	shalt  }
0x78: {  	_ =	shalt  }
0x79: {  	_ =	shalt  }
0x7a: {  	_ =	shalt  }
0x7b: {  	_ =	shalt  }
0x7c: {  	_ =	shalt  }
0x7d: {  	_ =	shalt  }
0x7e: {  	_ =	shalt  }
0x7f: {  	_ =	shalt  }
0x80: {  	_ =	shalt  }
0x81: {  	_ =	shalt  }
0x82: {  	_ =	shalt  }
0x83: {  	_ =	shalt  }
0x84: {  	_ =	shalt  }
0x85: {  	_ =	shalt  }
0x86: {  	_ =	shalt  }
0x87: {  	_ =	shalt  }
.Lfunc_end0:
.L_simem_size_0:
called_computation_lowered:
.L_overlay_start_0:
0x88: {  	s2 =	sld [smem:$0x3FD9]  }
0x89: {  	s3 =	sld [smem:$0x3FFE];
	_ =	sdelay $0x1  }
0x8a: {  	s1 =	srdreg.scid  }
0x8b: {  	s0 =	sand.u32 $0x1, s1  }
0x8c: {  	s17 =	sshll.u32 s0, $0xA;
	s2 =	sadd.s32 s3, s2  }
0x8d: {  	s2 =	sadd.s32 s2, s17  }
0x8e: {  	[smem:$0x3FC3] =	sst s2  }
0x8f: {  	_ = 	snop  }
0x90: {  	s2 =	sld [smem:$0x3FD0];
	(tm) =	ssettm $0x1  }
0x91: {  	s18 =	sld [smem:$0x3FFB];
	_ =	sdelay $0x3  }
0x92: {  	_ =	strace s18  }
0x93: {  	s3 =	sld [smem:$0x3FFC];
	_ =	sdelay $0x3  }
0x94: {  	_ =	strace s3  }
0x95: {  	s3 =	sld [smem:$0x3FFD];
	_ =	sdelay $0x3  }
0x96: {  	_ =	strace s3  }
0x97: {  	_ =	strace $0x8FFFFFFF  }
0x98: {  	s19 =	sld [smem:$0x3FDB];
	_ =	sdelay $0x1  }
0x99: {  	s4 =	simm.s32 $_scs_section_size  }
0x9a: {  	s5 =	simm.s32 $_size__tile_overlayer_lowered;
	s6 =	simm.s32 $_tile_overlayer_lowered  }
0x9b: {  	s22 =	simm.s32 $0x1BFF;
	s21 =	sshll.u32 s6, $0x1;
	s3 =	sadd.s32 s4, s19  }
0x9c: {  	s7 =	simm.s32 $0x0;
	s20 =	sshll.u32 s5, $0x1;
	s5 =	sadd.s32 s21, s3  }
0x9d: {  	[timem:s7], [sflag:s22] =	dma.local [hbm:s5], s20  }
0x9e: {  	_ =	swait.ge [sflag:s22], s20  }
0x9f: {  	s4 =	ssub.s32 $0x0, s20;
	[sflag:s22] =	ssyncset.done $0x0  }
0xa0: {  	[sflag:s22] =	ssyncadd.s32 s4;
	_ =	sdelay $0x1  }
0xa1: {  	s23 =	simm.s32 $0x1B8B  }
0xa2: {  	_ =	swait.ge [sflag:s23], $0x1  }
0xa3: {  	[sflag:s23] =	ssyncset.done $0x0  }
0xa4: {  	s25 =	simm.s32 $0x1B8E;
	s24 =	sld [smem:$0x3FFE];
	[sflag:s23] =	ssyncadd.s32 $0xFFFFFFFF  }
0xa5: {  	s26 =	simm.s32 $execute0_lowered;
	[smem:$0x3FD2] =	sst s25  }
0xa6: {  	s5 =	sshll.u32 s26, $0x1;
	_ =	strace $0x80000046;
	[dreg:$0x1] =	wrdreg $0xFFFFFFFF  }
0xa7: {  	s28 =	simm.s32 $_size_execute0_lowered;
	s3 =	sadd.s32 s3, s5;
	[dreg:$0x0] =	wrdreg $0x0  }
0xa8: {  	s5 =	sshll.u32 s28, $0x1;
	[dreg:$0x2] =	wrdreg s3  }
0xa9: {  	[dreg:$0x3] =	wrdreg s5  }
0xaa: {  	[dreg:$0x4] =	wrdreg $0xC0  }
0xab: {  	_ =	task [dreg:s7], $0x5FFFF  }
0xac: {  	[dreg:$0x1] =	wrdreg $0xFFFFFFFF  }
0xad: {  	[dreg:$0x0] =	wrdreg $0x60  }
0xae: {  	[dreg:$0x2] =	wrdreg s2  }
0xaf: {  	[dreg:$0x3] =	wrdreg s24  }
0xb0: {  	[dreg:$0x4] =	wrdreg $0x0  }
0xb1: {  	[dreg:$0x5] =	wrdreg $0x140000  }
0xb2: {  	[dreg:$0x6] =	wrdreg $0x9  }
0xb3: {  	_ =	task.clear_ibuf [dreg:s7], $0x7FFFF;
	_ =	strace $0x90000046  }
0xb4: {  	s29 =	simm.s32 $0x9;
	_ =	strace $0x80000048  }
0xb5: {  	_ =	swait.ge [sflag:s29], $0x1  }
0xb6: {  	[sflag:s29] =	ssyncadd.s32 $0xFFFFFFFF  }
0xb7: {  	_ =	strace $0x90000048  }
0xb8: {  	_ =	sfence  }
0xb9: {  	s30 =	sld [smem:$0x0];
	_ =	sdelay $0x2  }
0xba: {  	s31 =	sshll.u32 s1, $0xD;
	s1 =	sshrl.u32 s1, $0x2  }
0xbb: {  	s3 =	sand.u32 $0x4000, s31;
	s1 =	sadd.s32 s1, s30  }
0xbc: {  	s0 =	sor.u32 s3, s0;
	s1 =	sshll.u32 s1, $0x11  }
0xbd: {  	s0 =	sor.u32 s1, s0  }
0xbe: {  	s0 =	sadd.s32 $0x8F2B, s0  }
0xbf: {  	[sflag:s0] =	ssyncadd.remote.s32 $0x1  }
0xc0: {  	_ =	sfence.sel $0xFFFF  }
0xc1: {  	[dreg:$0x0] =	wrdreg $0xFFFFFFFF;
	(pc) =	sbr.abs _section_cstart, $3  }
0xc2: {  	[dreg:$0x1] =	wrdreg $0xFFFFFFFF  }
0xc3: {  	_ =	task.clear_ibuf [dreg:s7], $0x2FFFF;
	_ =	strace $0x9FFFFFFF  }
0xc4: {  	(tm) =	ssettm $0x7FFFFFFF  }
0xc5: {  	_ =	shalt  }
tec
execute0_lowered:
.L_overlay_start_1:
0x0: {  	(tag) =	ssettag $0x1  }
0x1: {  	s1 =	rddreg [dreg:$0x0]  }
0x2: {  	s7 =	rddreg [dreg:$0x1]  }
0x3: {  	s2 =	rddreg [dreg:$0x2]  }
0x4: {  	s3 =	rddreg [dreg:$0x3];
	s31 =	stileid.u32  }
0x5: {  	s0 =	srdreg.scid;
	s9 =	smul.u32 $0x280, s31  }
0x6: {  	s4 =	simm.s32 $0x0;
	s16 =	sand.u32 $0x1, s0;
	s10 =	smul.u32 $0x4E20, s31  }
0x7: {  	[smem:$0x7FF] =	sst s4;
	s6 =	sshll.u32 s31, $0x1;
	s13 =	smul.u32 $0x2800, s16  }
0x8: {  	s17 =	sadd.s32 $0x15A00, s7;
	_ =	strace $0x80000047;
	s21 =	smul.u32 $0x2710, s16  }
0x9: {  	s0 =	ssub.s32 $0x2, s16;
	s18 =	sor.u32 s16, s6;
	s16 =	smul.u32 $0x4E20, s16  }
0xa: {  	s5 =	sshrl.u32 s0, $0x1;
	s14 =	sor.u32 $0x50, s9;
	s12 =	sadd.s32 $0xA0, s9  }
0xb: {  	s11 =	sadd.s32 $0xF0, s9;
	s8 =	sadd.s32 $0x190, s9;
	s6 =	sadd.s32 $0x1E0, s9  }
0xc: {  	s0 =	ssub.s32 s0, s5;
	s19 =	sadd.s32 s9, s13;
	s20 =	sadd.s32 s13, s14  }
0xd: {  	s22 =	sadd.s32 s13, s12;
	s5 =	sadd.s32 s21, s10;
	s21 =	sadd.s32 s13, s11  }
0xe: {  	[smem:$0x7F2] =	sst s0;
	s0 =	sadd.s32 $0x140, s9;
	s15 =	sshll.u32 s19, $0x4  }
0xf: {  	s9 =	sadd.s32 $0x230, s9;
	s23 =	sshll.u32 s20, $0x4;
	s15 =	sadd.s32 s17, s15  }
0x10: {  	s24 =	sshll.u32 s22, $0x4;
	s19 =	sshll.u32 s19, $0x1;
	[dreg:$0x7] =	wrdreg s15  }
0x11: {  	s15 =	sadd.s32 s17, s23;
	s23 =	sshll.u32 s21, $0x4;
	s21 =	sshll.u32 s21, $0x1  }
0x12: {  	[dreg:$0x8] =	wrdreg s15;
	s15 =	sadd.s32 s17, s24;
	s25 =	sadd.s32 s17, s23  }
0x13: {  	s23 =	sadd.s32 s13, s0;
	s24 =	sadd.s32 s13, s8;
	[dreg:$0x9] =	wrdreg s15  }
0x14: {  	[dreg:$0xa] =	wrdreg s25;
	s26 =	sshll.u32 s23, $0x4;
	s25 =	sadd.s32 s13, s6  }
0x15: {  	s10 =	sshll.u32 s24, $0x4;
	s24 =	sshll.u32 s24, $0x1;
	s15 =	sadd.s32 s17, s26  }
0x16: {  	s26 =	sshll.u32 s25, $0x4;
	[dreg:$0xb] =	wrdreg s15;
	s15 =	sadd.s32 s17, s10  }
0x17: {  	s25 =	sshll.u32 s25, $0x1;
	s26 =	sadd.s32 s17, s26;
	[dreg:$0xc] =	wrdreg s15  }
0x18: {  	s10 =	sadd.s32 $0xF0, s5;
	[dreg:$0xd] =	wrdreg s26;
	s26 =	sadd.s32 s13, s9  }
0x19: {  	s28 =	sshrl.u32 s10, $0x3;
	s13 =	sadd.s32 $0x1600, s7;
	s10 =	smul.u32 $0x2710, s18  }
0x1a: {  	s15 =	sshll.u32 s20, $0x1;
	s20 =	sadd.s32 $0x65A00, s7;
	s30 =	sadd.s32 s28, s13  }
0x1b: {  	s29 =	sshll.u32 s26, $0x4;
	s15 =	sadd.s32 s20, s15;
	[dreg:$0x5] =	wrdreg s30  }
0x1c: {  	s26 =	sshll.u32 s26, $0x1;
	s17 =	sadd.s32 s17, s29;
	[dreg:$0x10] =	wrdreg s15  }
0x1d: {  	[dreg:$0xe] =	wrdreg s17;
	s17 =	smul.u32 $0x27100, s18;
	s18 =	sadd.s32 s20, s19  }
0x1e: {  	s19 =	sshll.u32 s22, $0x1;
	s22 =	sshll.u32 s23, $0x1;
	[dreg:$0xf] =	wrdreg s18  }
0x1f: {  	s18 =	sadd.s32 s20, s19;
	s23 =	sadd.s32 s20, s22;
	s22 =	sadd.s32 $0x4E3600, s7  }
0x20: {  	s19 =	sadd.s32 $0x26C0, s10;
	[dreg:$0x11] =	wrdreg s18;
	s18 =	sadd.s32 s20, s21  }
0x21: {  	[dreg:$0x13] =	wrdreg s23;
	s21 =	sadd.s32 $0xB400, s7;
	s17 =	sshrl.u32 s17, $0x3  }
0x22: {  	[dreg:$0x12] =	wrdreg s18;
	s18 =	sadd.s32 s20, s24;
	s15 =	sadd.s32 s28, s21  }
0x23: {  	s24 =	sshll.u32 s5, $0x1;
	[dreg:$0x14] =	wrdreg s18;
	s18 =	sadd.s32 s20, s25  }
0x24: {  	[dreg:$0x6] =	wrdreg s15;
	s25 =	sadd.s32 s22, s17;
	s15 =	smul.u32 $0x9C40, s31  }
0x25: {  	s23 =	sadd.s32 s22, s24;
	[dreg:$0x15] =	wrdreg s18;
	s18 =	sadd.s32 s20, s26  }
0x26: {  	s26 =	smov.u32 s10;
	s10 =	sshll.u32 s19, $0x1;
	s20 =	smul.u32 $0x50000, s31  }
0x27: {  	[dreg:$0x16] =	wrdreg s18;
	s17 =	sadd.s32 s22, s10;
	s18 =	sadd.s32 s15, s22  }
0x28: {  	s10 =	smul.u32 $0xA000, s31;
	s22 =	sshll.u32 s14, $0x7;
	s14 =	sshll.u32 s14, $0x4  }
0x29: {  	[dreg:$0x17] =	wrdreg s17;
	s16 =	sadd.s32 s16, s18;
	s15 =	sshrl.u32 s20, $0x2  }
0x2a: {  	s18 =	sadd.s32 $0x15200, s7;
	s7 =	sadd.s32 $0x15800, s7;
	[dreg:$0x18] =	wrdreg s16  }
0x2b: {  	s24 =	sadd.s32 s14, s3;
	s14 =	sshll.u32 s11, $0x7;
	[dreg:$0x19] =	wrdreg s18  }
0x2c: {  	[dreg:$0x1a] =	wrdreg s7;
	s17 =	sadd.s32 s15, s2;
	s20 =	sshrl.u32 s10, $0x2  }
0x2d: {  	[dreg:$0x1d] =	wrdreg s24;
	s10 =	sshll.u32 s12, $0x7;
	s12 =	sshll.u32 s12, $0x4  }
0x2e: {  	s15 =	sadd.s32 s14, s2;
	s16 =	sshll.u32 s11, $0x4;
	s18 =	sshll.u32 s0, $0x7  }
0x2f: {  	s0 =	sshll.u32 s0, $0x4;
	s7 =	sadd.s32 s20, s3;
	[smem:$0x7E6] =	sst s15  }
0x30: {  	s24 =	sadd.s32 s12, s3;
	s0 =	sadd.s32 s0, s3;
	[smem:$0x7F7] =	sst s17  }
0x31: {  	s20 =	sshll.u32 s8, $0x7;
	[dreg:$0x1b] =	wrdreg s7;
	s7 =	sadd.s32 s22, s2  }
0x32: {  	[smem:$0x7E9] =	sst s0;
	s22 =	sshll.u32 s8, $0x4;
	s8 =	sshll.u32 s9, $0x7  }
0x33: {  	s14 =	sadd.s32 s20, s2;
	[dreg:$0x1c] =	wrdreg s7;
	s15 =	sadd.s32 s8, s2  }
0x34: {  	s8 =	sshrl.u32 s19, $0x3;
	s19 =	smov.u32 s24;
	s24 =	sld [smem:$0x7F2]  }
0x35: {  	s11 =	sshrl.u32 s26, $0x3;
	s7 =	sadd.s32 s10, s2;
	[smem:$0x7F8] =	sst s14  }
0x36: {  	s12 =	sadd.s32 s22, s3;
	s22 =	sadd.s32 s13, s11;
	[dreg:$0x1e] =	wrdreg s7  }
0x37: {  	[smem:$0x7EB] =	sst s22  }
0x38: {  	s0 =	sshll.u32 s6, $0x7;
	[dreg:$0x1f] =	wrdreg s19  }
0x39: {  	s6 =	sshll.u32 s6, $0x4;
	s20 =	sadd.s32 s0, s2;
	[smem:$0x7F9] =	sst s12  }
0x3a: {  	s10 =	sadd.s32 s6, s3;
	[smem:$0x7FA] =	sst s20  }
0x3b: {  	s29 =	simm.s32 $0x1;
	s30 =	simm.s32 $0x50;
	[smem:$0x7FB] =	sst s10  }
0x3c: {  	s6 =	sadd.s32 $0xA, s11;
	s7 =	sadd.s32 s16, s3;
	[smem:$0x7FC] =	sst s15  }
0x3d: {  	s9 =	sshll.u32 s9, $0x4;
	s26 =	sadd.s32 s21, s6;
	[smem:$0x7E7] =	sst s7  }
0x3e: {  	s16 =	sadd.s32 s9, s3;
	s9 =	sadd.s32 $0x4C40, s25;
	[smem:$0x7EC] =	sst s26  }
0x3f: {  	s28 =	simm.s32 $0x168A0;
	s22 =	sadd.s32 s13, s8;
	[smem:$0x7EE] =	sst s9  }
0x40: {  	s31 =	simm.s32 $0x2;
	s7 =	sadd.s32 s18, s2;
	[smem:$0x7F1] =	sst s22  }
0x41: {  	s18 =	sadd.s32 s21, s11;
	s11 =	sadd.s32 $0x4CE0, s25;
	[smem:$0x7FD] =	sst s16  }
0x42: {  	s25 =	sadd.s32 $0xA0, s5;
	s26 =	sadd.s32 $0xA0, s23;
	[smem:$0x7E8] =	sst s7  }
0x43: {  	s22 =	simm.s32 $0x16940;
	s23 =	simm.s32 $0x7;
	[smem:$0x7EA] =	sst s18  }
0x44: {  	s5 =	simm.s32 $0x1BE40;
	s9 =	simm.s32 $0x6;
	[smem:$0x7EF] =	sst s11  }
0x45: {  	s7 =	sadd.s32 s13, s6;
	s18 =	sadd.s32 s21, s8;
	[smem:$0x7F4] =	sst s25  }
0x46: {  	s0 =	smax.u32 s24, $0x1;
	[smem:$0x7F5] =	sst s26;
	s24 =	simm.s32 $0x1B940  }
0x47: {  	s26 =	simm.s32 $0x16800;
	s25 =	simm.s32 $0x168F0;
	[smem:$0x7ED] =	sst s7  }
0x48: {  	s6 =	simm.s32 $0x3;
	s8 =	simm.s32 $0x4;
	[smem:$0x7F0] =	sst s18  }
0x49: {  	s11 =	simm.s32 $0x0;
	[smem:$0x7F3] =	sst s0;
	s18 =	simm.s32 $0x16850  }
0x4a: {  	s0 =	simm.s32 $0x19140;
	s7 =	simm.s32 $0x5;
	[smem:$0x7F6] =	sst s11  }
.LBB2_1:
0x4b: {  	s11 =	rddreg [dreg:$0x19]  }
0x4c: {  	[tilespmem:s22], [sflag:$0x7] =	stream.linear.gather [hbm4b:s11+s4], $0x2800, $0x38;
	[tilespmem:$0x1C340] =	vst v63  }
0x4d: {  	_ =	swait.ge [sflag:s23], $0x2800  }
0x4e: {  	[sflag:s23] =	ssyncset.done $0x0  }
0x4f: {  	s11 =	rddreg [dreg:$0x1a];
	[sflag:s23] =	ssyncadd.s32 $0xFFFFD800  }
0x50: {  	[tilespmem:s24], [sflag:$0x7] =	stream.linear.gather [hbm4b:s11+s4], $0x500, $0x38;
	[tilespmem:$0x1C340] =	vst v63  }
0x51: {  	_ =	swait.ge [sflag:s23], $0x500  }
0x52: {  	[sflag:s23] =	ssyncset.done $0x0  }
0x53: {  	[sflag:s23] =	ssyncadd.s32 $0xFFFFFB00  }
0x54: {  	[spmem:s17] =	stream.linear.scatter [tilespmem:s22], [sflag:$0x7], $0x2800, $0x38;
	[tilespmem:$0x1C340] =	vst v63  }
0x55: {  	_ =	swait.ge [sflag:s23], $0x2800  }
0x56: {  	[sflag:s23] =	ssyncset.done $0x0  }
0x57: {  	s17 =	rddreg [dreg:$0x1b];
	[sflag:s23] =	ssyncadd.s32 $0xFFFFD800  }
0x58: {  	[spmem:s17] =	stream.linear.scatter [tilespmem:s24], [sflag:$0x7], $0x500, $0x38;
	[tilespmem:$0x1C340] =	vst v63  }
0x59: {  	_ =	swait.ge [sflag:s23], $0x500  }
0x5a: {  	[sflag:s23] =	ssyncset.done $0x0  }
0x5b: {  	s17 =	rddreg [dreg:$0x1c];
	[sflag:s23] =	ssyncadd.s32 $0xFFFFFB00  }
0x5c: {  	[spmem:s17] =	stream.linear.scatter [tilespmem:s22], [sflag:$0x7], $0x2800, $0x38;
	[tilespmem:$0x1C340] =	vst v63  }
0x5d: {  	_ =	swait.ge [sflag:s23], $0x2800  }
0x5e: {  	[sflag:s23] =	ssyncset.done $0x0  }
0x5f: {  	s17 =	rddreg [dreg:$0x1d];
	[sflag:s23] =	ssyncadd.s32 $0xFFFFD800  }
0x60: {  	[spmem:s17] =	stream.linear.scatter [tilespmem:s24], [sflag:$0x7], $0x500, $0x38;
	[tilespmem:$0x1C340] =	vst v63  }
0x61: {  	_ =	swait.ge [sflag:s23], $0x500  }
0x62: {  	[sflag:s23] =	ssyncset.done $0x0  }
0x63: {  	s17 =	rddreg [dreg:$0x1e];
	[sflag:s23] =	ssyncadd.s32 $0xFFFFFB00  }
0x64: {  	[spmem:s17] =	stream.linear.scatter [tilespmem:s22], [sflag:$0x7], $0x2800, $0x38;
	[tilespmem:$0x1C340] =	vst v63  }
0x65: {  	_ =	swait.ge [sflag:s23], $0x2800  }
0x66: {  	[sflag:s23] =	ssyncset.done $0x0  }
0x67: {  	[sflag:s23] =	ssyncadd.s32 $0xFFFFD800  }
0x68: {  	[spmem:s19] =	stream.linear.scatter [tilespmem:s24], [sflag:$0x7], $0x500, $0x38;
	[tilespmem:$0x1C340] =	vst v63  }
0x69: {  	_ =	swait.ge [sflag:s23], $0x500  }
0x6a: {  	s19 =	sld [smem:$0x7E6]  }
0x6b: {  	[sflag:s23] =	ssyncset.done $0x0  }
0x6c: {  	[sflag:s23] =	ssyncadd.s32 $0xFFFFFB00  }
0x6d: {  	[spmem:s19] =	stream.linear.scatter [tilespmem:s22], [sflag:$0x7], $0x2800, $0x38;
	[tilespmem:$0x1C340] =	vst v63  }
0x6e: {  	_ =	swait.ge [sflag:s23], $0x2800  }
0x6f: {  	s17 =	sld [smem:$0x7E7]  }
0x70: {  	[sflag:s23] =	ssyncset.done $0x0  }
0x71: {  	[sflag:s23] =	ssyncadd.s32 $0xFFFFD800  }
0x72: {  	[spmem:s17] =	stream.linear.scatter [tilespmem:s24], [sflag:$0x7], $0x500, $0x38;
	[tilespmem:$0x1C340] =	vst v63  }
0x73: {  	_ =	swait.ge [sflag:s23], $0x500  }
0x74: {  	s19 =	sld [smem:$0x7E8]  }
0x75: {  	[sflag:s23] =	ssyncset.done $0x0  }
0x76: {  	[sflag:s23] =	ssyncadd.s32 $0xFFFFFB00  }
0x77: {  	[spmem:s19] =	stream.linear.scatter [tilespmem:s22], [sflag:$0x7], $0x2800, $0x38;
	[tilespmem:$0x1C340] =	vst v63  }
0x78: {  	_ =	swait.ge [sflag:s23], $0x2800  }
0x79: {  	s17 =	sld [smem:$0x7E9]  }
0x7a: {  	[sflag:s23] =	ssyncset.done $0x0  }
0x7b: {  	[sflag:s23] =	ssyncadd.s32 $0xFFFFD800  }
0x7c: {  	[spmem:s17] =	stream.linear.scatter [tilespmem:s24], [sflag:$0x7], $0x500, $0x38;
	[tilespmem:$0x1C340] =	vst v63  }
0x7d: {  	_ =	swait.ge [sflag:s23], $0x500  }
0x7e: {  	[sflag:s23] =	ssyncset.done $0x0  }
0x7f: {  	[sflag:s23] =	ssyncadd.s32 $0xFFFFFB00  }
0x80: {  	[spmem:s14] =	stream.linear.scatter [tilespmem:s22], [sflag:$0x7], $0x2800, $0x38;
	[tilespmem:$0x1C340] =	vst v63  }
0x81: {  	_ =	swait.ge [sflag:s23], $0x2800  }
0x82: {  	[sflag:s23] =	ssyncset.done $0x0  }
0x83: {  	[sflag:s23] =	ssyncadd.s32 $0xFFFFD800  }
0x84: {  	[spmem:s12] =	stream.linear.scatter [tilespmem:s24], [sflag:$0x7], $0x500, $0x38;
	[tilespmem:$0x1C340] =	vst v63  }
0x85: {  	_ =	swait.ge [sflag:s23], $0x500  }
0x86: {  	[sflag:s23] =	ssyncset.done $0x0  }
0x87: {  	[sflag:s23] =	ssyncadd.s32 $0xFFFFFB00  }
0x88: {  	[spmem:s20] =	stream.linear.scatter [tilespmem:s22], [sflag:$0x7], $0x2800, $0x38;
	[tilespmem:$0x1C340] =	vst v63  }
0x89: {  	_ =	swait.ge [sflag:s23], $0x2800  }
0x8a: {  	[sflag:s23] =	ssyncset.done $0x0  }
0x8b: {  	[sflag:s23] =	ssyncadd.s32 $0xFFFFD800  }
0x8c: {  	[spmem:s10] =	stream.linear.scatter [tilespmem:s24], [sflag:$0x7], $0x500, $0x38;
	[tilespmem:$0x1C340] =	vst v63  }
0x8d: {  	_ =	swait.ge [sflag:s23], $0x500  }
0x8e: {  	[sflag:s23] =	ssyncset.done $0x0  }
0x8f: {  	[sflag:s23] =	ssyncadd.s32 $0xFFFFFB00  }
0x90: {  	[spmem:s15] =	stream.linear.scatter [tilespmem:s22], [sflag:$0x7], $0x2800, $0x38;
	[tilespmem:$0x1C340] =	vst v63  }
0x91: {  	_ =	swait.ge [sflag:s23], $0x2800  }
0x92: {  	[sflag:s23] =	ssyncset.done $0x0  }
0x93: {  	[sflag:s23] =	ssyncadd.s32 $0xFFFFD800  }
0x94: {  	[spmem:s16] =	stream.linear.scatter [tilespmem:s24], [sflag:$0x7], $0x500, $0x38;
	[tilespmem:$0x1C340] =	vst v63  }
0x95: {  	_ =	swait.ge [sflag:s23], $0x500  }
0x96: {  	[sflag:s23] =	ssyncset.done $0x0  }
0x97: {  	[sflag:s23] =	ssyncadd.s32 $0xFFFFFB00  }
0x98: {  	[bflag:$0x0] =	sbarrier.arrive $0xFFFF  }
0x99: {  	s19 =	sld [smem:$0x7EA];
	_ =	sdelay $0x1  }
0x9a: {  	s20 =	sld [smem:$0x7EB]  }
0x9b: {  	[tilespmem:s26], [sflag:$0x1] =	stream.linear.gather [hbm4b:s19+s4], $0x50, $0x38;
	[tilespmem:$0x1C340] =	vst v63  }
0x9c: {  	s11 =	sld [smem:$0x7EC]  }
0x9d: {  	[tilespmem:s28], [sflag:$0x1] =	stream.linear.gather [hbm4b:s20+s4], $0x50, $0x38;
	[tilespmem:$0x1C340] =	vst v63  }
0x9e: {  	s12 =	sld [smem:$0x7ED]  }
0x9f: {  	[tilespmem:s18], [sflag:$0x2] =	stream.linear.gather [hbm4b:s11+s4], $0x50, $0x38;
	[tilespmem:$0x1C340] =	vst v63  }
0xa0: {  	_ = 	snop  }
0xa1: {  	[tilespmem:s25], [sflag:$0x2] =	stream.linear.gather [hbm4b:s12+s4], $0x50, $0x38;
	[tilespmem:$0x1C340] =	vst v63  }
0xa2: {  	_ =	swait.ge [sflag:s29], $0x50  }
0xa3: {  	[sflag:s29] =	ssyncset.done $0x0  }
0xa4: {  	[sflag:s29] =	ssyncadd.s32 $0xFFFFFFB0  }
0xa5: {  	_ =	swait.ge [sflag:s29], $0x50  }
0xa6: {  	[sflag:s29] =	ssyncset.done $0x0  }
0xa7: {  	[sflag:s29] =	ssyncadd.s32 $0xFFFFFFB0  }
0xa8: {  	[tilespmem:s22], [sflag:$0x3] =	stream.indirect.gather [hbm4b:s1+s30], $0x80, s26, s30, $0xb8;
	[tilespmem:$0x1C340] =	vst v63  }
0xa9: {  	s15 =	rddreg [dreg:$0x18]  }
0xaa: {  	[tilespmem:s24], [sflag:$0x5] =	stream.linear.gather [hbm4b:s15+s4], $0x500, $0x38;
	[tilespmem:$0x1C340] =	vst v63  }
0xab: {  	_ =	swait.ge [sflag:s31], $0x50  }
0xac: {  	[sflag:s31] =	ssyncset.done $0x0  }
0xad: {  	[sflag:s31] =	ssyncadd.s32 $0xFFFFFFB0  }
0xae: {  	_ =	swait.ge [sflag:s31], $0x50  }
0xaf: {  	[sflag:s31] =	ssyncset.done $0x0  }
0xb0: {  	s17 =	sld [smem:$0x7F5];
	[sflag:s31] =	ssyncadd.s32 $0xFFFFFFB0  }
0xb1: {  	[tilespmem:s0], [sflag:$0x4] =	stream.indirect.gather [hbm4b:s1+s30], $0x80, s18, s30, $0xb8;
	[tilespmem:$0x1C340] =	vst v63  }
0xb2: {  	_ = 	snop  }
0xb3: {  	[tilespmem:s5], [sflag:$0x6] =	stream.linear.gather [hbm4b:s17+s4], $0x500, $0x38;
	[tilespmem:$0x1C340] =	vst v63  }
0xb4: {  	_ =	swait.ge [sflag:s6], $0x2800  }
0xb5: {  	[sflag:s6] =	ssyncset.done $0x0  }
0xb6: {  	[sflag:s6] =	ssyncadd.s32 $0xFFFFD800  }
0xb7: {  	_ =	swait.ge [sflag:s7], $0x500  }
0xb8: {  	[sflag:s7] =	ssyncset.done $0x0  }
0xb9: {  	[sflag:s7] =	ssyncadd.s32 $0xFFFFFB00  }
0xba: {  	[spmem:s2] =	stream.indirect.scatter.add.f32 [tilespmem:s22], [sflag:$0x7], $0x80, s28, s30, $0xb8;
	[tilespmem:$0x1C340] =	vst v63  }
0xbb: {  	_ =	swait.ge [sflag:s23], $0x2800  }
0xbc: {  	[sflag:s23] =	ssyncset.done $0x0  }
0xbd: {  	[sflag:s23] =	ssyncadd.s32 $0xFFFFD800  }
0xbe: {  	[spmem:s3] =	stream.indirect.scatter.add.f32 [tilespmem:s24], [sflag:$0x7], $0x10, s28, s30, $0xb8;
	[tilespmem:$0x1C340] =	vst v63  }
0xbf: {  	_ =	swait.ge [sflag:s23], $0x500  }
0xc0: {  	s10 =	sld [smem:$0x7F4];
	_ =	sdelay $0x2  }
0xc1: {  	[sflag:s23] =	ssyncset.done $0x0;
	s14 =	sshrl.u32 s10, $0x3  }
0xc2: {  	[sflag:s23] =	ssyncadd.s32 $0xFFFFFB00;
	s16 =	sadd.s32 s21, s14  }
0xc3: {  	[tilespmem:s26], [sflag:$0x1] =	stream.linear.gather [hbm4b:s16+s4], $0x50, $0x38;
	[tilespmem:$0x1C340] =	vst v63  }
0xc4: {  	s11 =	sadd.s32 s13, s14  }
0xc5: {  	[tilespmem:s28], [sflag:$0x1] =	stream.linear.gather [hbm4b:s11+s4], $0x50, $0x38;
	[tilespmem:$0x1C340] =	vst v63  }
0xc6: {  	_ =	swait.ge [sflag:s8], $0x2800  }
0xc7: {  	[sflag:s8] =	ssyncset.done $0x0  }
0xc8: {  	[sflag:s8] =	ssyncadd.s32 $0xFFFFD800  }
0xc9: {  	_ =	swait.ge [sflag:s9], $0x500  }
0xca: {  	[sflag:s9] =	ssyncset.done $0x0  }
0xcb: {  	[sflag:s9] =	ssyncadd.s32 $0xFFFFFB00  }
0xcc: {  	[spmem:s2] =	stream.indirect.scatter.add.f32 [tilespmem:s0], [sflag:$0x7], $0x80, s25, s30, $0xb8;
	[tilespmem:$0x1C340] =	vst v63  }
0xcd: {  	_ =	swait.ge [sflag:s23], $0x2800  }
0xce: {  	[sflag:s23] =	ssyncset.done $0x0  }
0xcf: {  	[sflag:s23] =	ssyncadd.s32 $0xFFFFD800  }
0xd0: {  	[spmem:s3] =	stream.indirect.scatter.add.f32 [tilespmem:s5], [sflag:$0x7], $0x10, s25, s30, $0xb8;
	[tilespmem:$0x1C340] =	vst v63  }
0xd1: {  	s12 =	sadd.s32 $0x140, s15;
	_ =	swait.ge [sflag:s23], $0x500  }
0xd2: {  	s15 =	sadd.s32 $0x140, s17;
	s19 =	rddreg [dreg:$0x6];
	[sflag:s23] =	ssyncset.done $0x0  }
0xd3: {  	s20 =	rddreg [dreg:$0x5];
	[sflag:s23] =	ssyncadd.s32 $0xFFFFFB00;
	s11 =	sadd.s32 $0x0, s19  }
0xd4: {  	[tilespmem:s18], [sflag:$0x2] =	stream.linear.gather [hbm4b:s11+s4], $0x50, $0x38;
	[tilespmem:$0x1C340] =	vst v63  }
0xd5: {  	s14 =	sadd.s32 $0xA0, s10;
	s16 =	sadd.s32 $0x0, s20;
	s11 =	simm.s32 $0x14  }
.LBB2_2:
0xd6: {  	[tilespmem:s25], [sflag:$0x2] =	stream.linear.gather [hbm4b:s16+s4], $0x50, $0x38;
	[tilespmem:$0x1C340] =	vst v63  }
0xd7: {  	_ =	swait.ge [sflag:s29], $0x50  }
0xd8: {  	[sflag:s29] =	ssyncset.done $0x0  }
0xd9: {  	[sflag:s29] =	ssyncadd.s32 $0xFFFFFFB0  }
0xda: {  	_ =	swait.ge [sflag:s29], $0x50  }
0xdb: {  	[sflag:s29] =	ssyncset.done $0x0  }
0xdc: {  	[sflag:s29] =	ssyncadd.s32 $0xFFFFFFB0  }
0xdd: {  	[tilespmem:s22], [sflag:$0x3] =	stream.indirect.gather [hbm4b:s1+s30], $0x80, s26, s30, $0xb8;
	[tilespmem:$0x1C340] =	vst v63  }
0xde: {  	_ = 	snop  }
0xdf: {  	[tilespmem:s24], [sflag:$0x5] =	stream.linear.gather [hbm4b:s12+s4], $0x500, $0x38;
	[tilespmem:$0x1C340] =	vst v63  }
0xe0: {  	_ =	swait.ge [sflag:s31], $0x50  }
0xe1: {  	[sflag:s31] =	ssyncset.done $0x0  }
0xe2: {  	[sflag:s31] =	ssyncadd.s32 $0xFFFFFFB0  }
0xe3: {  	_ =	swait.ge [sflag:s31], $0x50  }
0xe4: {  	[sflag:s31] =	ssyncset.done $0x0  }
0xe5: {  	[sflag:s31] =	ssyncadd.s32 $0xFFFFFFB0  }
0xe6: {  	[tilespmem:s0], [sflag:$0x4] =	stream.indirect.gather [hbm4b:s1+s30], $0x80, s18, s30, $0xb8;
	[tilespmem:$0x1C340] =	vst v63  }
0xe7: {  	_ = 	snop  }
0xe8: {  	[tilespmem:s5], [sflag:$0x6] =	stream.linear.gather [hbm4b:s15+s4], $0x500, $0x38;
	[tilespmem:$0x1C340] =	vst v63  }
0xe9: {  	_ =	swait.ge [sflag:s6], $0x2800  }
0xea: {  	[sflag:s6] =	ssyncset.done $0x0  }
0xeb: {  	[sflag:s6] =	ssyncadd.s32 $0xFFFFD800  }
0xec: {  	_ =	swait.ge [sflag:s7], $0x500  }
0xed: {  	[sflag:s7] =	ssyncset.done $0x0  }
0xee: {  	[sflag:s7] =	ssyncadd.s32 $0xFFFFFB00  }
0xef: {  	[spmem:s2] =	stream.indirect.scatter.add.f32 [tilespmem:s22], [sflag:$0x7], $0x80, s28, s30, $0xb8;
	[tilespmem:$0x1C340] =	vst v63  }
0xf0: {  	_ =	swait.ge [sflag:s23], $0x2800  }
0xf1: {  	[sflag:s23] =	ssyncset.done $0x0  }
0xf2: {  	[sflag:s23] =	ssyncadd.s32 $0xFFFFD800  }
0xf3: {  	[spmem:s3] =	stream.indirect.scatter.add.f32 [tilespmem:s24], [sflag:$0x7], $0x10, s28, s30, $0xb8;
	[tilespmem:$0x1C340] =	vst v63  }
0xf4: {  	_ =	swait.ge [sflag:s23], $0x500  }
0xf5: {  	s17 =	sshrl.u32 s14, $0x3;
	[sflag:s23] =	ssyncset.done $0x0  }
0xf6: {  	s19 =	sadd.s32 s21, s17;
	[sflag:s23] =	ssyncadd.s32 $0xFFFFFB00  }
0xf7: {  	[tilespmem:s26], [sflag:$0x1] =	stream.linear.gather [hbm4b:s19+s4], $0x50, $0x38;
	[tilespmem:$0x1C340] =	vst v63  }
0xf8: {  	s17 =	sadd.s32 s13, s17  }
0xf9: {  	[tilespmem:s28], [sflag:$0x1] =	stream.linear.gather [hbm4b:s17+s4], $0x50, $0x38;
	[tilespmem:$0x1C340] =	vst v63  }
0xfa: {  	_ =	swait.ge [sflag:s8], $0x2800  }
0xfb: {  	[sflag:s8] =	ssyncset.done $0x0  }
0xfc: {  	[sflag:s8] =	ssyncadd.s32 $0xFFFFD800  }
0xfd: {  	_ =	swait.ge [sflag:s9], $0x500  }
0xfe: {  	[sflag:s9] =	ssyncset.done $0x0  }
0xff: {  	[sflag:s9] =	ssyncadd.s32 $0xFFFFFB00  }
0x100: {  	[spmem:s2] =	stream.indirect.scatter.add.f32 [tilespmem:s0], [sflag:$0x7], $0x80, s25, s30, $0xb8;
	[tilespmem:$0x1C340] =	vst v63  }
0x101: {  	_ =	swait.ge [sflag:s23], $0x2800  }
0x102: {  	[sflag:s23] =	ssyncset.done $0x0  }
0x103: {  	s10 =	smov.u32 s11;
	p0 =	sne.s32 s11, $0x4B0;
	[sflag:s23] =	ssyncadd.s32 $0xFFFFD800  }
0x104: {  	[spmem:s3] =	stream.indirect.scatter.add.f32 [tilespmem:s5], [sflag:$0x7], $0x10, s25, s30, $0xb8;
	[tilespmem:$0x1C340] =	vst v63  }
.Ltmp0:
0x105: {  	s11 =	sadd.s32 $0x14, s11;
	_ =	swait.ge [sflag:s23], $0x500;
	(pc) =	sbr.rel @p0 .LBB2_2-.Ltmp0, $4  }
0x106: {  	s14 =	sadd.s32 $0xA0, s14;
	s12 =	sadd.s32 $0x140, s12;
	s19 =	rddreg [dreg:$0x6]  }
0x107: {  	s15 =	sadd.s32 $0x140, s15;
	s20 =	rddreg [dreg:$0x5];
	[sflag:s23] =	ssyncset.done $0x0  }
0x108: {  	[sflag:s23] =	ssyncadd.s32 $0xFFFFFB00;
	s17 =	sadd.s32 s10, s19;
	s16 =	sadd.s32 s10, s20  }
0x109: {  	[tilespmem:s18], [sflag:$0x2] =	stream.linear.gather [hbm4b:s17+s4], $0x50, $0x38;
	[tilespmem:$0x1C340] =	vst v63  }
0x10a: {  	[tilespmem:s25], [sflag:$0x2] =	stream.linear.gather [hbm4b:s16+s4], $0x50, $0x38;
	[tilespmem:$0x1C340] =	vst v63  }
0x10b: {  	_ =	swait.ge [sflag:s29], $0x50  }
0x10c: {  	[sflag:s29] =	ssyncset.done $0x0  }
0x10d: {  	[sflag:s29] =	ssyncadd.s32 $0xFFFFFFB0  }
0x10e: {  	_ =	swait.ge [sflag:s29], $0x50  }
0x10f: {  	[sflag:s29] =	ssyncset.done $0x0  }
0x110: {  	s10 =	sld [smem:$0x7EE];
	[sflag:s29] =	ssyncadd.s32 $0xFFFFFFB0  }
0x111: {  	[tilespmem:s22], [sflag:$0x3] =	stream.indirect.gather [hbm4b:s1+s30], $0x80, s26, s30, $0xb8;
	[tilespmem:$0x1C340] =	vst v63  }
0x112: {  	_ = 	snop  }
0x113: {  	[tilespmem:s24], [sflag:$0x5] =	stream.linear.gather [hbm4b:s10+s4], $0x500, $0x38;
	[tilespmem:$0x1C340] =	vst v63  }
0x114: {  	_ =	swait.ge [sflag:s31], $0x50  }
0x115: {  	[sflag:s31] =	ssyncset.done $0x0  }
0x116: {  	[sflag:s31] =	ssyncadd.s32 $0xFFFFFFB0  }
0x117: {  	_ =	swait.ge [sflag:s31], $0x50  }
0x118: {  	[sflag:s31] =	ssyncset.done $0x0  }
0x119: {  	s19 =	sld [smem:$0x7EF];
	[sflag:s31] =	ssyncadd.s32 $0xFFFFFFB0  }
0x11a: {  	[tilespmem:s0], [sflag:$0x4] =	stream.indirect.gather [hbm4b:s1+s30], $0x80, s18, s30, $0xb8;
	[tilespmem:$0x1C340] =	vst v63  }
0x11b: {  	_ = 	snop  }
0x11c: {  	[tilespmem:s5], [sflag:$0x6] =	stream.linear.gather [hbm4b:s19+s4], $0x500, $0x38;
	[tilespmem:$0x1C340] =	vst v63  }
0x11d: {  	_ =	swait.ge [sflag:s6], $0x2800  }
0x11e: {  	[sflag:s6] =	ssyncset.done $0x0  }
0x11f: {  	[sflag:s6] =	ssyncadd.s32 $0xFFFFD800  }
0x120: {  	_ =	swait.ge [sflag:s7], $0x500  }
0x121: {  	[sflag:s7] =	ssyncset.done $0x0  }
0x122: {  	[sflag:s7] =	ssyncadd.s32 $0xFFFFFB00  }
0x123: {  	[spmem:s2] =	stream.indirect.scatter.add.f32 [tilespmem:s22], [sflag:$0x7], $0x80, s28, s30, $0xb8;
	[tilespmem:$0x1C340] =	vst v63  }
0x124: {  	_ =	swait.ge [sflag:s23], $0x2800  }
0x125: {  	[sflag:s23] =	ssyncset.done $0x0  }
0x126: {  	[sflag:s23] =	ssyncadd.s32 $0xFFFFD800  }
0x127: {  	[spmem:s3] =	stream.indirect.scatter.add.f32 [tilespmem:s24], [sflag:$0x7], $0x10, s28, s30, $0xb8;
	[tilespmem:$0x1C340] =	vst v63  }
0x128: {  	_ =	swait.ge [sflag:s23], $0x500  }
0x129: {  	s20 =	sld [smem:$0x7F0]  }
0x12a: {  	[sflag:s23] =	ssyncset.done $0x0  }
0x12b: {  	s11 =	sld [smem:$0x7F1];
	[sflag:s23] =	ssyncadd.s32 $0xFFFFFB00  }
0x12c: {  	[tilespmem:s26], [sflag:$0x1] =	stream.linear.gather [hbm4b:s20+s4], $0x50, $0x38;
	[tilespmem:$0x1C340] =	vst v63  }
0x12d: {  	_ = 	snop  }
0x12e: {  	[tilespmem:s28], [sflag:$0x1] =	stream.linear.gather [hbm4b:s11+s4], $0x50, $0x38;
	[tilespmem:$0x1C340] =	vst v63  }
0x12f: {  	_ =	swait.ge [sflag:s8], $0x2800  }
0x130: {  	[sflag:s8] =	ssyncset.done $0x0  }
0x131: {  	[sflag:s8] =	ssyncadd.s32 $0xFFFFD800  }
0x132: {  	_ =	swait.ge [sflag:s9], $0x500  }
0x133: {  	[sflag:s9] =	ssyncset.done $0x0  }
0x134: {  	[sflag:s9] =	ssyncadd.s32 $0xFFFFFB00  }
0x135: {  	[spmem:s2] =	stream.indirect.scatter.add.f32 [tilespmem:s0], [sflag:$0x7], $0x80, s25, s30, $0xb8;
	[tilespmem:$0x1C340] =	vst v63  }
0x136: {  	_ =	swait.ge [sflag:s23], $0x2800  }
0x137: {  	[sflag:s23] =	ssyncset.done $0x0  }
0x138: {  	[sflag:s23] =	ssyncadd.s32 $0xFFFFD800  }
0x139: {  	[spmem:s3] =	stream.indirect.scatter.add.f32 [tilespmem:s5], [sflag:$0x7], $0x10, s25, s30, $0xb8;
	[tilespmem:$0x1C340] =	vst v63  }
0x13a: {  	_ =	swait.ge [sflag:s23], $0x500  }
0x13b: {  	[sflag:s23] =	ssyncset.done $0x0  }
0x13c: {  	[sflag:s23] =	ssyncadd.s32 $0xFFFFFB00  }
0x13d: {  	_ =	swait.ge [sflag:s29], $0x50  }
0x13e: {  	[sflag:s29] =	ssyncset.done $0x0  }
0x13f: {  	[sflag:s29] =	ssyncadd.s32 $0xFFFFFFB0  }
0x140: {  	_ =	swait.ge [sflag:s29], $0x50  }
0x141: {  	[sflag:s29] =	ssyncset.done $0x0  }
0x142: {  	[sflag:s29] =	ssyncadd.s32 $0xFFFFFFB0  }
0x143: {  	[tilespmem:s22], [sflag:$0x3] =	stream.indirect.gather [hbm4b:s1+s30], $0x80, s26, s30, $0xb8;
	[tilespmem:$0x1C340] =	vst v63  }
0x144: {  	s11 =	rddreg [dreg:$0x17]  }
0x145: {  	[tilespmem:s24], [sflag:$0x5] =	stream.linear.gather [hbm4b:s11+s4], $0x500, $0x38;
	[tilespmem:$0x1C340] =	vst v63  }
0x146: {  	_ =	swait.ge [sflag:s6], $0x2800  }
0x147: {  	[sflag:s6] =	ssyncset.done $0x0  }
0x148: {  	[sflag:s6] =	ssyncadd.s32 $0xFFFFD800  }
0x149: {  	_ =	swait.ge [sflag:s7], $0x500  }
0x14a: {  	[sflag:s7] =	ssyncset.done $0x0  }
0x14b: {  	[sflag:s7] =	ssyncadd.s32 $0xFFFFFB00  }
0x14c: {  	[spmem:s2] =	stream.indirect.scatter.add.f32 [tilespmem:s22], [sflag:$0x7], $0x80, s28, s30, $0xb8;
	[tilespmem:$0x1C340] =	vst v63  }
0x14d: {  	_ =	swait.ge [sflag:s23], $0x2800  }
0x14e: {  	[sflag:s23] =	ssyncset.done $0x0  }
0x14f: {  	[sflag:s23] =	ssyncadd.s32 $0xFFFFD800  }
0x150: {  	[spmem:s3] =	stream.indirect.scatter.add.f32 [tilespmem:s24], [sflag:$0x7], $0x10, s28, s30, $0xb8;
	[tilespmem:$0x1C340] =	vst v63  }
0x151: {  	_ =	swait.ge [sflag:s23], $0x500  }
0x152: {  	[sflag:s23] =	ssyncset.done $0x0  }
0x153: {  	[sflag:s23] =	ssyncadd.s32 $0xFFFFFB00  }
0x154: {  	[bflag:$0x0] =	sbarrier.arrive $0xFFFF  }
0x155: {  	s12 =	sld [smem:$0x7F7];
	_ =	sdelay $0x2  }
0x156: {  	[tilespmem:s22], [sflag:$0x7] =	stream.linear.gather [spmem:s12], $0x2800, $0x38;
	[tilespmem:$0x1C340] =	vst v63  }
0x157: {  	_ =	swait.ge [sflag:s23], $0x2800  }
0x158: {  	[sflag:s23] =	ssyncset.done $0x0  }
0x159: {  	s14 =	rddreg [dreg:$0x7];
	[sflag:s23] =	ssyncadd.s32 $0xFFFFD800  }
0x15a: {  	[hbm4b:s14+s4] =	stream.linear.scatter [tilespmem:s22], [sflag:$0x7], $0x2800, $0x38;
	[tilespmem:$0x1C340] =	vst v63  }
0x15b: {  	_ =	swait.ge [sflag:s23], $0x2800  }
0x15c: {  	[sflag:s23] =	ssyncset.done $0x0  }
0x15d: {  	s15 =	rddreg [dreg:$0x1b];
	[sflag:s23] =	ssyncadd.s32 $0xFFFFD800  }
0x15e: {  	[tilespmem:s24], [sflag:$0x7] =	stream.linear.gather [spmem:s15], $0x500, $0x38;
	[tilespmem:$0x1C340] =	vst v63  }
0x15f: {  	_ =	swait.ge [sflag:s23], $0x500  }
0x160: {  	[sflag:s23] =	ssyncset.done $0x0  }
0x161: {  	s16 =	rddreg [dreg:$0xf];
	[sflag:s23] =	ssyncadd.s32 $0xFFFFFB00  }
0x162: {  	[hbm4b:s16+s4] =	stream.linear.scatter [tilespmem:s24], [sflag:$0x7], $0x500, $0x38;
	[tilespmem:$0x1C340] =	vst v63  }
0x163: {  	_ =	swait.ge [sflag:s23], $0x500  }
0x164: {  	[sflag:s23] =	ssyncset.done $0x0  }
0x165: {  	s17 =	rddreg [dreg:$0x1c];
	[sflag:s23] =	ssyncadd.s32 $0xFFFFFB00  }
0x166: {  	[tilespmem:s22], [sflag:$0x7] =	stream.linear.gather [spmem:s17], $0x2800, $0x38;
	[tilespmem:$0x1C340] =	vst v63  }
0x167: {  	_ =	swait.ge [sflag:s23], $0x2800  }
0x168: {  	[sflag:s23] =	ssyncset.done $0x0  }
0x169: {  	s19 =	rddreg [dreg:$0x8];
	[sflag:s23] =	ssyncadd.s32 $0xFFFFD800  }
0x16a: {  	[hbm4b:s19+s4] =	stream.linear.scatter [tilespmem:s22], [sflag:$0x7], $0x2800, $0x38;
	[tilespmem:$0x1C340] =	vst v63  }
0x16b: {  	_ =	swait.ge [sflag:s23], $0x2800  }
0x16c: {  	[sflag:s23] =	ssyncset.done $0x0  }
0x16d: {  	s20 =	rddreg [dreg:$0x1d];
	[sflag:s23] =	ssyncadd.s32 $0xFFFFD800  }
0x16e: {  	[tilespmem:s24], [sflag:$0x7] =	stream.linear.gather [spmem:s20], $0x500, $0x38;
	[tilespmem:$0x1C340] =	vst v63  }
0x16f: {  	_ =	swait.ge [sflag:s23], $0x500  }
0x170: {  	[sflag:s23] =	ssyncset.done $0x0  }
0x171: {  	s10 =	rddreg [dreg:$0x10];
	[sflag:s23] =	ssyncadd.s32 $0xFFFFFB00  }
0x172: {  	[hbm4b:s10+s4] =	stream.linear.scatter [tilespmem:s24], [sflag:$0x7], $0x500, $0x38;
	[tilespmem:$0x1C340] =	vst v63  }
0x173: {  	_ =	swait.ge [sflag:s23], $0x500  }
0x174: {  	[sflag:s23] =	ssyncset.done $0x0  }
0x175: {  	s12 =	rddreg [dreg:$0x1e];
	[sflag:s23] =	ssyncadd.s32 $0xFFFFFB00  }
0x176: {  	[tilespmem:s22], [sflag:$0x7] =	stream.linear.gather [spmem:s12], $0x2800, $0x38;
	[tilespmem:$0x1C340] =	vst v63  }
0x177: {  	_ =	swait.ge [sflag:s23], $0x2800  }
0x178: {  	[sflag:s23] =	ssyncset.done $0x0  }
0x179: {  	s14 =	rddreg [dreg:$0x9];
	[sflag:s23] =	ssyncadd.s32 $0xFFFFD800  }
0x17a: {  	[hbm4b:s14+s4] =	stream.linear.scatter [tilespmem:s22], [sflag:$0x7], $0x2800, $0x38;
	[tilespmem:$0x1C340] =	vst v63  }
0x17b: {  	_ =	swait.ge [sflag:s23], $0x2800  }
0x17c: {  	[sflag:s23] =	ssyncset.done $0x0  }
0x17d: {  	s19 =	rddreg [dreg:$0x1f];
	[sflag:s23] =	ssyncadd.s32 $0xFFFFD800  }
0x17e: {  	[tilespmem:s24], [sflag:$0x7] =	stream.linear.gather [spmem:s19], $0x500, $0x38;
	[tilespmem:$0x1C340] =	vst v63  }
0x17f: {  	_ =	swait.ge [sflag:s23], $0x500  }
0x180: {  	[sflag:s23] =	ssyncset.done $0x0  }
0x181: {  	s15 =	rddreg [dreg:$0x11];
	[sflag:s23] =	ssyncadd.s32 $0xFFFFFB00  }
0x182: {  	[hbm4b:s15+s4] =	stream.linear.scatter [tilespmem:s24], [sflag:$0x7], $0x500, $0x38;
	[tilespmem:$0x1C340] =	vst v63  }
0x183: {  	_ =	swait.ge [sflag:s23], $0x500  }
0x184: {  	s16 =	sld [smem:$0x7E6]  }
0x185: {  	[sflag:s23] =	ssyncset.done $0x0  }
0x186: {  	[sflag:s23] =	ssyncadd.s32 $0xFFFFFB00  }
0x187: {  	[tilespmem:s22], [sflag:$0x7] =	stream.linear.gather [spmem:s16], $0x2800, $0x38;
	[tilespmem:$0x1C340] =	vst v63  }
0x188: {  	_ =	swait.ge [sflag:s23], $0x2800  }
0x189: {  	[sflag:s23] =	ssyncset.done $0x0  }
0x18a: {  	s17 =	rddreg [dreg:$0xa];
	[sflag:s23] =	ssyncadd.s32 $0xFFFFD800  }
0x18b: {  	[hbm4b:s17+s4] =	stream.linear.scatter [tilespmem:s22], [sflag:$0x7], $0x2800, $0x38;
	[tilespmem:$0x1C340] =	vst v63  }
0x18c: {  	_ =	swait.ge [sflag:s23], $0x2800  }
0x18d: {  	s20 =	sld [smem:$0x7E7]  }
0x18e: {  	[sflag:s23] =	ssyncset.done $0x0  }
0x18f: {  	[sflag:s23] =	ssyncadd.s32 $0xFFFFD800  }
0x190: {  	[tilespmem:s24], [sflag:$0x7] =	stream.linear.gather [spmem:s20], $0x500, $0x38;
	[tilespmem:$0x1C340] =	vst v63  }
0x191: {  	_ =	swait.ge [sflag:s23], $0x500  }
0x192: {  	[sflag:s23] =	ssyncset.done $0x0  }
0x193: {  	s10 =	rddreg [dreg:$0x12];
	[sflag:s23] =	ssyncadd.s32 $0xFFFFFB00  }
0x194: {  	[hbm4b:s10+s4] =	stream.linear.scatter [tilespmem:s24], [sflag:$0x7], $0x500, $0x38;
	[tilespmem:$0x1C340] =	vst v63  }
0x195: {  	_ =	swait.ge [sflag:s23], $0x500  }
0x196: {  	s12 =	sld [smem:$0x7E8]  }
0x197: {  	[sflag:s23] =	ssyncset.done $0x0  }
0x198: {  	[sflag:s23] =	ssyncadd.s32 $0xFFFFFB00  }
0x199: {  	[tilespmem:s22], [sflag:$0x7] =	stream.linear.gather [spmem:s12], $0x2800, $0x38;
	[tilespmem:$0x1C340] =	vst v63  }
0x19a: {  	_ =	swait.ge [sflag:s23], $0x2800  }
0x19b: {  	[sflag:s23] =	ssyncset.done $0x0  }
0x19c: {  	s14 =	rddreg [dreg:$0xb];
	[sflag:s23] =	ssyncadd.s32 $0xFFFFD800  }
0x19d: {  	[hbm4b:s14+s4] =	stream.linear.scatter [tilespmem:s22], [sflag:$0x7], $0x2800, $0x38;
	[tilespmem:$0x1C340] =	vst v63  }
0x19e: {  	_ =	swait.ge [sflag:s23], $0x2800  }
0x19f: {  	s15 =	sld [smem:$0x7E9]  }
0x1a0: {  	[sflag:s23] =	ssyncset.done $0x0  }
0x1a1: {  	[sflag:s23] =	ssyncadd.s32 $0xFFFFD800  }
0x1a2: {  	[tilespmem:s24], [sflag:$0x7] =	stream.linear.gather [spmem:s15], $0x500, $0x38;
	[tilespmem:$0x1C340] =	vst v63  }
0x1a3: {  	_ =	swait.ge [sflag:s23], $0x500  }
0x1a4: {  	[sflag:s23] =	ssyncset.done $0x0  }
0x1a5: {  	s16 =	rddreg [dreg:$0x13];
	[sflag:s23] =	ssyncadd.s32 $0xFFFFFB00  }
0x1a6: {  	[hbm4b:s16+s4] =	stream.linear.scatter [tilespmem:s24], [sflag:$0x7], $0x500, $0x38;
	[tilespmem:$0x1C340] =	vst v63  }
0x1a7: {  	_ =	swait.ge [sflag:s23], $0x500  }
0x1a8: {  	s14 =	sld [smem:$0x7F8]  }
0x1a9: {  	[sflag:s23] =	ssyncset.done $0x0  }
0x1aa: {  	[sflag:s23] =	ssyncadd.s32 $0xFFFFFB00  }
0x1ab: {  	[tilespmem:s22], [sflag:$0x7] =	stream.linear.gather [spmem:s14], $0x2800, $0x38;
	[tilespmem:$0x1C340] =	vst v63  }
0x1ac: {  	_ =	swait.ge [sflag:s23], $0x2800  }
0x1ad: {  	[sflag:s23] =	ssyncset.done $0x0  }
0x1ae: {  	s17 =	rddreg [dreg:$0xc];
	[sflag:s23] =	ssyncadd.s32 $0xFFFFD800  }
0x1af: {  	[hbm4b:s17+s4] =	stream.linear.scatter [tilespmem:s22], [sflag:$0x7], $0x2800, $0x38;
	[tilespmem:$0x1C340] =	vst v63  }
0x1b0: {  	_ =	swait.ge [sflag:s23], $0x2800  }
0x1b1: {  	s12 =	sld [smem:$0x7F9]  }
0x1b2: {  	[sflag:s23] =	ssyncset.done $0x0  }
0x1b3: {  	[sflag:s23] =	ssyncadd.s32 $0xFFFFD800  }
0x1b4: {  	[tilespmem:s24], [sflag:$0x7] =	stream.linear.gather [spmem:s12], $0x500, $0x38;
	[tilespmem:$0x1C340] =	vst v63  }
0x1b5: {  	_ =	swait.ge [sflag:s23], $0x500  }
0x1b6: {  	[sflag:s23] =	ssyncset.done $0x0  }
0x1b7: {  	s20 =	rddreg [dreg:$0x14];
	[sflag:s23] =	ssyncadd.s32 $0xFFFFFB00  }
0x1b8: {  	[hbm4b:s20+s4] =	stream.linear.scatter [tilespmem:s24], [sflag:$0x7], $0x500, $0x38;
	[tilespmem:$0x1C340] =	vst v63  }
0x1b9: {  	_ =	swait.ge [sflag:s23], $0x500  }
0x1ba: {  	s20 =	sld [smem:$0x7FA]  }
0x1bb: {  	[sflag:s23] =	ssyncset.done $0x0  }
0x1bc: {  	[sflag:s23] =	ssyncadd.s32 $0xFFFFFB00  }
0x1bd: {  	[tilespmem:s22], [sflag:$0x7] =	stream.linear.gather [spmem:s20], $0x2800, $0x38;
	[tilespmem:$0x1C340] =	vst v63  }
0x1be: {  	_ =	swait.ge [sflag:s23], $0x2800  }
0x1bf: {  	[sflag:s23] =	ssyncset.done $0x0  }
0x1c0: {  	s10 =	rddreg [dreg:$0xd];
	[sflag:s23] =	ssyncadd.s32 $0xFFFFD800  }
0x1c1: {  	[hbm4b:s10+s4] =	stream.linear.scatter [tilespmem:s22], [sflag:$0x7], $0x2800, $0x38;
	[tilespmem:$0x1C340] =	vst v63  }
0x1c2: {  	_ =	swait.ge [sflag:s23], $0x2800  }
0x1c3: {  	s10 =	sld [smem:$0x7FB]  }
0x1c4: {  	[sflag:s23] =	ssyncset.done $0x0  }
0x1c5: {  	[sflag:s23] =	ssyncadd.s32 $0xFFFFD800  }
0x1c6: {  	[tilespmem:s24], [sflag:$0x7] =	stream.linear.gather [spmem:s10], $0x500, $0x38;
	[tilespmem:$0x1C340] =	vst v63  }
0x1c7: {  	_ =	swait.ge [sflag:s23], $0x500  }
0x1c8: {  	[sflag:s23] =	ssyncset.done $0x0  }
0x1c9: {  	s15 =	rddreg [dreg:$0x15];
	[sflag:s23] =	ssyncadd.s32 $0xFFFFFB00  }
0x1ca: {  	[hbm4b:s15+s4] =	stream.linear.scatter [tilespmem:s24], [sflag:$0x7], $0x500, $0x38;
	[tilespmem:$0x1C340] =	vst v63  }
0x1cb: {  	_ =	swait.ge [sflag:s23], $0x500  }
0x1cc: {  	s15 =	sld [smem:$0x7FC]  }
0x1cd: {  	[sflag:s23] =	ssyncset.done $0x0  }
0x1ce: {  	[sflag:s23] =	ssyncadd.s32 $0xFFFFFB00  }
0x1cf: {  	[tilespmem:s22], [sflag:$0x7] =	stream.linear.gather [spmem:s15], $0x2800, $0x38;
	[tilespmem:$0x1C340] =	vst v63  }
0x1d0: {  	_ =	swait.ge [sflag:s23], $0x2800  }
0x1d1: {  	[sflag:s23] =	ssyncset.done $0x0  }
0x1d2: {  	s16 =	rddreg [dreg:$0xe];
	[sflag:s23] =	ssyncadd.s32 $0xFFFFD800  }
0x1d3: {  	[hbm4b:s16+s4] =	stream.linear.scatter [tilespmem:s22], [sflag:$0x7], $0x2800, $0x38;
	[tilespmem:$0x1C340] =	vst v63  }
0x1d4: {  	_ =	swait.ge [sflag:s23], $0x2800  }
0x1d5: {  	s16 =	sld [smem:$0x7FD]  }
0x1d6: {  	[sflag:s23] =	ssyncset.done $0x0  }
0x1d7: {  	[sflag:s23] =	ssyncadd.s32 $0xFFFFD800  }
0x1d8: {  	[tilespmem:s24], [sflag:$0x7] =	stream.linear.gather [spmem:s16], $0x500, $0x38;
	[tilespmem:$0x1C340] =	vst v63  }
0x1d9: {  	_ =	swait.ge [sflag:s23], $0x500  }
0x1da: {  	[sflag:s23] =	ssyncset.done $0x0  }
0x1db: {  	s17 =	rddreg [dreg:$0x16];
	[sflag:s23] =	ssyncadd.s32 $0xFFFFFB00  }
0x1dc: {  	[hbm4b:s17+s4] =	stream.linear.scatter [tilespmem:s24], [sflag:$0x7], $0x500, $0x38;
	[tilespmem:$0x1C340] =	vst v63  }
0x1dd: {  	_ =	swait.ge [sflag:s23], $0x500  }
0x1de: {  	s17 =	sld [smem:$0x7F6]  }
0x1df: {  	s11 =	sld [smem:$0x7F3];
	_ =	sdelay $0x1  }
0x1e0: {  	s17 =	sadd.s32 $0x1, s17  }
0x1e1: {  	p0 =	sne.s32 s17, s11  }
.Ltmp1:
0x1e2: {  	_ = 	snop;
	(pc) =	sbr.rel @p0 .LBB2_1-.Ltmp1, $3  }
0x1e3: {  	_ =	sdelay $0x1  }
0x1e4: {  	[sflag:s23] =	ssyncset.done $0x0;
	[smem:$0x7F6] =	sst s17  }
0x1e5: {  	[sflag:s23] =	ssyncadd.s32 $0xFFFFFB00;
	s17 =	sld [smem:$0x7F7]  }
0x1e6: {  	_ =	sfence.sel $0x180000  }
0x1e7: {  	[bflag:$0x0] =	sbarrier.arrive $0xFFFF  }
0x1e8: {  	_ =	strace $0x90000047  }
0x1e9: {  	s0 =	stileid.u32;
	[bflag:$0x2] =	sbarrier.arrive $0xFFFF  }
0x1ea: {  	p0 =	sne.s32 s0, $0x0;
	s0 =	rddreg [dreg:$0x4]  }
0x1eb: {  	s0 =	sadd.s32 @!p0 $0x100000, s0  }
0x1ec: {  	[sflag:s0] =	ssyncadd.tile.s32 @!p0 $0x1;
	_ =	shalt  }
.Lfunc_end2:
_tile_overlayer_lowered:
.L_overlay_start_2:
0x1ed: {  	(tag) =	ssettag $0x2  }
0x1ee: {  	s0 =	rddreg [dreg:$0x0];
	s2 =	stileid.u32  }
0x1ef: {  	s1 =	rddreg [dreg:$0x1];
	p0 =	sne.s32 s2, $0x0  }
0x1f0: {  	s3 =	rddreg [dreg:$0x2];
	[bflag:$0x3] =	sbarrier.arrive $0xFFFF;
	s2 =	simm.s32 @!p0 $0x1C07  }
0x1f1: {  	[timem:s3], [sflag:s2] =	dma.local @!p0 [hbm:s0], s1  }
0x1f2: {  	s0 =	simm.s32 @!p0 $0x7  }
0x1f3: {  	_ =	swait.ge @!p0 [sflag:s0], s1  }
0x1f4: {  	s1 =	ssub.s32 @!p0 $0x0, s1;
	[sflag:s0] =	ssyncset.done @!p0 $0x0  }
0x1f5: {  	[sflag:s0] =	ssyncadd.s32 @!p0 s1  }
0x1f6: {  	[bflag:$0x3] =	sbarrier.arrive $0xFFFF  }
0x1f7: {  	_ =	shalt  }

</sc_bundles>
